<compile_context>
chip_gen: v7x
topology: tpu7x:2x2x1
jax: 0.10.2.dev20260603
libtpu: 0.0.44.dev20260713+nightly
codegen_flags: <defaults>
</compile_context>

<pallas_src>
import functools

import jax
import jax.numpy as jnp
from jax import lax
from jax.experimental import pallas as pl
from jax.experimental.pallas import tpu as pltpu
from jax.experimental.pallas import tpu_sc as plsc

N_NODES = 10000
N_EDGES = 320000
BATCH = 64

NC = 2
NS = 16
L = 16
NCOMBO = 32
EW = N_EDGES // NS
CH_A = 2000
IDXW = 80
NIDX = CH_A // IDXW
CH_B = 2048
EPS = N_EDGES + NCOMBO * 128 + CH_B

_mesh = plsc.VectorSubcoreMesh(
    core_axis_name="c", subcore_axis_name="s", num_cores=NC, num_subcores=NS
)


@functools.partial(
    pl.kernel,
    out_type=jax.ShapeDtypeStruct((BATCH, N_NODES), jnp.float32),
    mesh=_mesh,
    compiler_params=pltpu.CompilerParams(needs_layout_passes=False),
    scratch_types=[
        pltpu.VMEM((CH_A,), jnp.int32),
        pltpu.VMEM((CH_A,), jnp.int32),
        pltpu.VMEM((CH_A,), jnp.int32),
        pltpu.VMEM((CH_A,), jnp.float32),
        pltpu.VMEM((NIDX, IDXW), jnp.int32),
        pltpu.VMEM((NCOMBO,), jnp.int32),
        pltpu.VMEM((NCOMBO,), jnp.int32),
        pltpu.VMEM((NCOMBO,), jnp.int32),
        pltpu.VMEM((NCOMBO,), jnp.int32),
        pltpu.VMEM((NS, NCOMBO), jnp.int32),
        pltpu.VMEM_SHARED((NS, NCOMBO), jnp.int32),
        pltpu.VMEM_SHARED((EPS,), jnp.int32),
        pltpu.VMEM_SHARED((EPS,), jnp.int32),
        pltpu.VMEM_SHARED((EPS,), jnp.float32),
        pltpu.VMEM((BATCH, L), jnp.int32),
        pltpu.VMEM((N_NODES,), jnp.float32),
        pltpu.VMEM((N_NODES,), jnp.float32),
        pltpu.VMEM((CH_B,), jnp.int32),
        pltpu.VMEM((CH_B,), jnp.int32),
        pltpu.VMEM((CH_B,), jnp.float32),
        pltpu.VMEM((CH_B,), jnp.float32),
        pltpu.VMEM((CH_B,), jnp.int32),
        pltpu.SemaphoreType.DMA,
    ],
)
def _traverse(h_hbm, ekey_hbm, head_hbm, tail_hbm, w_hbm, bkey_hbm, out_hbm,
              kbuf, hd_a, tl_a, w_a, dstbuf, hist, ctr, bases, tot, tbl_v,
              table, sp_head, sp_tail, sp_w, bk_v, hrow, orow,
              hbuf, tbuf, wbuf, msgbuf, tcbuf, dmasem):
    s = lax.axis_index("s")
    k = lax.axis_index("c")
    ebase = s * EW
    iota = lax.broadcasted_iota(jnp.int32, (L,), 0)
    zi = jnp.zeros((L,), jnp.int32)
    zf = jnp.zeros((L,), jnp.float32)

    cal, _ = plsc.scan_count(jnp.full((L,), 7, jnp.int32))
    cbase = jnp.min(cal)

    hist[pl.ds(0, L)] = zi
    hist[pl.ds(L, L)] = zi

    def hist_chunk(ci, carry):
        pltpu.sync_copy(
            ekey_hbm.at[pl.ds(pl.multiple_of(ebase + ci * CH_A, 8), CH_A)], kbuf
        )

        def hist_body(j, c2):
            k16 = kbuf[pl.ds(j * L, L)]
            cnt, last = plsc.scan_count(k16)
            cur = plsc.load_gather(hist, [k16])
            plsc.store_scatter(hist, [k16], cur + (cnt - cbase) + 1, mask=last)
            return c2

        return lax.fori_loop(0, CH_A // L, hist_body, carry)

    lax.fori_loop(0, EW // CH_A, hist_chunk, 0)

    pltpu.sync_copy(hist, table.at[s])
    plsc.subcore_barrier()
    pltpu.sync_copy(table, tbl_v)

    tot_lo = zi
    tot_hi = zi
    my_lo = zi
    my_hi = zi
    for w in range(NS):
        row_lo = tbl_v[w, pl.ds(0, L)]
        row_hi = tbl_v[w, pl.ds(L, L)]
        tot_lo = tot_lo + row_lo
        tot_hi = tot_hi + row_hi
        use = w < s
        my_lo = my_lo + jnp.where(use, row_lo, zi)
        my_hi = my_hi + jnp.where(use, row_hi, zi)

    atot_lo = (tot_lo + 127) & ~127
    atot_hi = (tot_hi + 127) & ~127
    inc_lo = plsc.cumsum(atot_lo)
    inc_hi = plsc.cumsum(atot_hi)
    sum_lo = jnp.max(inc_lo)
    base_lo = inc_lo - atot_lo
    base_hi = inc_hi - atot_hi + sum_lo
    bases[pl.ds(0, L)] = base_lo
    bases[pl.ds(L, L)] = base_hi
    tot[pl.ds(0, L)] = tot_lo
    tot[pl.ds(L, L)] = tot_hi
    ctr[pl.ds(0, L)] = base_lo + my_lo
    ctr[pl.ds(L, L)] = base_hi + my_hi

    def place_chunk(ci, carry):
        abase = pl.multiple_of(ebase + ci * CH_A, 8)
        pltpu.sync_copy(ekey_hbm.at[pl.ds(abase, CH_A)], kbuf)
        pltpu.sync_copy(head_hbm.at[pl.ds(abase, CH_A)], hd_a)
        pltpu.sync_copy(tail_hbm.at[pl.ds(abase, CH_A)], tl_a)
        pltpu.sync_copy(w_hbm.at[pl.ds(abase, CH_A)], w_a)

        def dma_body(d, c2):
            def grp_body(jj, c3):
                j = d * (IDXW // L) + jj
                k16 = kbuf[pl.ds(j * L, L)]
                cnt, last = plsc.scan_count(k16)
                cur = plsc.load_gather(ctr, [k16])
                dst = cur + (cnt - cbase)
                plsc.store_scatter(ctr, [k16], dst + 1, mask=last)
                dstbuf[d, pl.ds(jj * L, L)] = dst
                return c3

            lax.fori_loop(0, IDXW // L, grp_body, 0)
            src = pl.ds(d * IDXW, IDXW)
            idxr = dstbuf.at[d]
            pltpu.async_copy(hd_a.at[src], sp_head.at[idxr], dmasem)
            pltpu.async_copy(tl_a.at[src], sp_tail.at[idxr], dmasem)
            pltpu.async_copy(w_a.at[src], sp_w.at[idxr], dmasem)
            return c2

        lax.fori_loop(0, NIDX, dma_body, 0)

        def drain_body(d, c2):
            src = pl.ds(d * IDXW, IDXW)
            idxr = dstbuf.at[d]
            pltpu.make_async_copy(hd_a.at[src], sp_head.at[idxr], dmasem).wait()
            pltpu.make_async_copy(tl_a.at[src], sp_tail.at[idxr], dmasem).wait()
            pltpu.make_async_copy(w_a.at[src], sp_w.at[idxr], dmasem).wait()
            return c2

        lax.fori_loop(0, NIDX, drain_body, 0)
        return carry

    lax.fori_loop(0, EW // CH_A, place_chunk, 0)
    plsc.subcore_barrier()

    pltpu.sync_copy(bkey_hbm, bk_v)

    for bi in range(BATCH // (NC * NS)):
        b = k * (NS * 2) + s * 2 + bi
        bk16 = bk_v[b, :]
        start = jnp.min(plsc.load_gather(bases, [bk16]))
        cnt = jnp.min(plsc.load_gather(tot, [bk16]))
        pltpu.sync_copy(h_hbm.at[b], hrow)

        def zero_body(j, carry):
            orow[pl.ds(j * L, L)] = zf
            return carry

        lax.fori_loop(0, N_NODES // L, zero_body, 0)

        nch = (cnt + CH_B - 1) // CH_B

        def chunk_body(ci, carry):
            row0 = pl.multiple_of(start + ci * CH_B, 128)
            pltpu.sync_copy(sp_head.at[pl.ds(row0, CH_B)], hbuf)
            pltpu.sync_copy(sp_tail.at[pl.ds(row0, CH_B)], tbuf)
            pltpu.sync_copy(sp_w.at[pl.ds(row0, CH_B)], wbuf)
            limit = cnt - ci * CH_B

            def run_pass(_):
                def main_body(j, c3):
                    sl = pl.ds(j * L, L)
                    m = (j * L + iota) < limit
                    hd = jnp.where(m, hbuf[sl], zi)
                    tl = jnp.where(m, tbuf[sl], zi)
                    msg = plsc.load_gather(hrow, [hd]) * wbuf[sl]
                    msgbuf[sl] = msg
                    tcbuf[sl] = tl
                    old = plsc.load_gather(orow, [tl])
                    new = jnp.maximum(old, msg)
                    plsc.store_scatter(orow, [tl], new, mask=m & (new > old))
                    return c3

                lax.fori_loop(0, CH_B // L, main_body, 0)

                def verify_body(j, facc):
                    sl = pl.ds(j * L, L)
                    m = (j * L + iota) < limit
                    chk = plsc.load_gather(orow, [tcbuf[sl]])
                    return facc | (m & (chk < msgbuf[sl])).astype(jnp.int32)

                fl = lax.fori_loop(0, CH_B // L, verify_body, zi)
                return jnp.max(fl)

            fail = run_pass(0)
            lax.while_loop(lambda x: x > 0, run_pass, fail)
            return carry

        lax.fori_loop(0, nch, chunk_body, 0)
        pltpu.sync_copy(orow, out_hbm.at[b])


@jax.jit
def kernel(h_prob, head, tail, rel, ts, edge_weight, r_index, timestamp):
    ekey = rel.astype(jnp.int32) * 4 + ts.astype(jnp.int32)
    bkey = r_index.astype(jnp.int32) * 4 + timestamp.astype(jnp.int32)
    bkey16 = jnp.tile(bkey[:, None], (1, L))
    return _traverse(
        h_prob,
        ekey,
        head.astype(jnp.int32),
        tail.astype(jnp.int32),
        edge_weight,
        bkey16,
    )

# --- scband reference (transcript-rebuilt; emitter-appended) ---
"""Pipeline reference for scband-symbolic-traversal-73641509257592 (READ-ONLY COPY).

The authoritative reference and input builder live on the scoring server;
editing this copy changes nothing except your own understanding.
"""

import jax, jax.numpy as jnp
import numpy as np

N_NODES = 10000
N_EDGES = 320000
BATCH = 64
N_REL = 8
N_TS = 4


def setup_inputs(seed: int = 0) -> dict:
    key = jax.random.key(seed)
    ks = jax.random.split(key, 8)
    return {
        "h_prob": jax.random.uniform(ks[0], (BATCH, N_NODES), dtype=jnp.float32),
        "head": jax.random.randint(ks[1], (N_EDGES,), 0, N_NODES),
        "tail": jax.random.randint(ks[2], (N_EDGES,), 0, N_NODES),
        "rel": jax.random.randint(ks[3], (N_EDGES,), 0, N_REL),
        "ts": jax.random.randint(ks[4], (N_EDGES,), 0, N_TS),
        "edge_weight": jax.random.uniform(ks[5], (N_EDGES,), dtype=jnp.float32),
        "r_index": jax.random.randint(ks[6], (BATCH,), 0, N_REL),
        "timestamp": jax.random.randint(ks[7], (BATCH,), 0, N_TS),
    }


def reference(h_prob, head, tail, rel, ts, edge_weight, r_index, timestamp):
    # Faithful translation of SymbolicTraversal.forward:
    #  1) graph.match(pattern) with pattern = (any, any, r_index, timestamp):
    #     select, per batch element b, the edges whose (relation, timestamp)
    #     equal (r_index[b], timestamp[b]).  Realized as a [B, E] boolean mask.
    #  2) generalized_spmm(adjacency.t(), h_prob, sum='max'): for each dst node t,
    #     t_prob[b, t] = max over matching edges (h -> t) of h_prob[b, h] * w(e).
    #  3) clamp(min=0); unmatched nodes get 0 (empty max -> neutral 0 after clamp).
    B, N = h_prob.shape
    mask = (rel[None, :] == r_index[:, None]) & (ts[None, :] == timestamp[:, None])  # [B, E]
    msg = h_prob[:, head] * edge_weight[None, :]                                     # gather [B, E]
    msg = jnp.where(mask, msg, jnp.float32(-1e30))
    seg = (jnp.arange(B)[:, None] * N + tail[None, :]).reshape(-1)                   # [B*E]
    t_prob = jax.ops.segment_max(msg.reshape(-1), seg, num_segments=B * N)           # scatter-max
    t_prob = jnp.where(t_prob > jnp.float32(-1e29), t_prob, jnp.float32(0.0))
    t_prob = jnp.clip(t_prob, 0.0)
    return t_prob.reshape(B, N)

if __name__ == "__main__":
    import jax
    _d = setup_inputs()
    print(jax.jit(kernel)(*tuple(_d.values())))

</pallas_src>

<mosaic_0001>
#map = affine_map<(d0, d1) -> (0, 0)>
#map1 = affine_map<(d0, d1) -> (0)>
module attributes {stable_mosaic.version = 14 : i64} {
  func.func @_traverse(%arg0: i32, %arg1: i32, %arg2: memref<64x10000xf32, #tpu.memory_space<hbm>>, %arg3: memref<320000xi32, #tpu.memory_space<hbm>>, %arg4: memref<320000xi32, #tpu.memory_space<hbm>>, %arg5: memref<320000xi32, #tpu.memory_space<hbm>>, %arg6: memref<320000xf32, #tpu.memory_space<hbm>>, %arg7: memref<64x16xi32, #tpu.memory_space<hbm>>, %arg8: memref<64x10000xf32, #tpu.memory_space<hbm>>, %arg9: memref<2000xi32, #tpu.memory_space<vmem>>, %arg10: memref<2000xi32, #tpu.memory_space<vmem>>, %arg11: memref<2000xi32, #tpu.memory_space<vmem>>, %arg12: memref<2000xf32, #tpu.memory_space<vmem>>, %arg13: memref<25x80xi32, #tpu.memory_space<vmem>>, %arg14: memref<32xi32, #tpu.memory_space<vmem>>, %arg15: memref<32xi32, #tpu.memory_space<vmem>>, %arg16: memref<32xi32, #tpu.memory_space<vmem>>, %arg17: memref<32xi32, #tpu.memory_space<vmem>>, %arg18: memref<16x32xi32, #tpu.memory_space<vmem>>, %arg19: memref<16x32xi32, #tpu.memory_space<vmem_shared>>, %arg20: memref<326144xi32, #tpu.memory_space<vmem_shared>>, %arg21: memref<326144xi32, #tpu.memory_space<vmem_shared>>, %arg22: memref<326144xf32, #tpu.memory_space<vmem_shared>>, %arg23: memref<64x16xi32, #tpu.memory_space<vmem>>, %arg24: memref<10000xf32, #tpu.memory_space<vmem>>, %arg25: memref<10000xf32, #tpu.memory_space<vmem>>, %arg26: memref<2048xi32, #tpu.memory_space<vmem>>, %arg27: memref<2048xi32, #tpu.memory_space<vmem>>, %arg28: memref<2048xf32, #tpu.memory_space<vmem>>, %arg29: memref<2048xf32, #tpu.memory_space<vmem>>, %arg30: memref<2048xi32, #tpu.memory_space<vmem>>, %arg31: memref<!tpu.dma_semaphore, #tpu.memory_space<semaphore_mem>>) attributes {dimension_semantics = [#tpu.dimension_semantics<core_parallel>, #tpu.dimension_semantics<subcore_parallel>], iteration_bounds = array<i64: 2, 16>, scalar_prefetch = 0 : i64, scratch_operands = 23 : i64, tpu.core_type = #tpu.core_type<sc_vector_subcore>, window_params = [{transform_indices = #map}, {transform_indices = #map1}, {transform_indices = #map1}, {transform_indices = #map1}, {transform_indices = #map1}, {transform_indices = #map}, {transform_indices = #map}]} {
    %mul3A = arith.constant 20000 : i32
    %mul3A_0 = arith.muli %arg1, %mul3A : i32
    %iota3A = tpu.iota {dimensions = array<i32: 0>} : vector<16xi32>
    %broadcast_in_dim3A = arith.constant 0 : i32
    %broadcast_in_dim3A_1 = vector.broadcast %broadcast_in_dim3A : i32 to vector<16xi32>
    %broadcast_in_dim3A_2 = arith.constant 0.000000e+00 : f32
    %broadcast_in_dim3A_3 = vector.broadcast %broadcast_in_dim3A_2 : f32 to vector<16xf32>
    %broadcast_in_dim3A_4 = arith.constant 7 : i32
    %broadcast_in_dim3A_5 = vector.broadcast %broadcast_in_dim3A_4 : i32 to vector<16xi32>
    %broadcast_in_dim3A_6 = arith.constant true
    %broadcast_in_dim3A_7 = vector.broadcast %broadcast_in_dim3A_6 : i1 to vector<16xi1>
    %unique3A, %unique3A_8 = tpu.scan_count mask(%broadcast_in_dim3A_7 : vector<16xi1>) value(%broadcast_in_dim3A_5 : vector<16xi32>) : vector<16xi1>, vector<16xi32>
    %reduce_min3A = arith.constant true
    %reduce_min3A_9 = vector.broadcast %reduce_min3A : i1 to vector<16xi1>
    %reduce_min3A_10 = arith.constant -2147483648 : i32
    %reduce_min3A_11 = vector.broadcast %reduce_min3A_10 : i32 to vector<16xi32>
    %reduce_min3A_12 = arith.xori %unique3A_8, %reduce_min3A_11 : vector<16xi32>
    %reduce_min3A_13 = tpu.scan <min>, %reduce_min3A_12 masked %reduce_min3A_9 : vector<16xi32>, vector<16xi1> -> vector<16xi32>
    %reduce_min3A_14 = arith.xori %reduce_min3A_13, %reduce_min3A_11 : vector<16xi32>
    %reduce_min3A_15 = vector.extract %reduce_min3A_14[15] : i32 from vector<16xi32>
    %swap3A = arith.constant 0 : index
    %swap3A_16 = tpu.vector_load %arg14[%swap3A] {strides = array<i32>} : memref<32xi32, #tpu.memory_space<vmem>>, vector<16xi32>,
    tpu.vector_store %arg14[%swap3A], %broadcast_in_dim3A_1 {strides = array<i32>} : memref<32xi32, #tpu.memory_space<vmem>>, vector<16xi32>,
    %swap3A_17 = arith.constant 16 : index
    %swap3A_18 = tpu.vector_load %arg14[%swap3A_17] {strides = array<i32>} : memref<32xi32, #tpu.memory_space<vmem>>, vector<16xi32>,
    tpu.vector_store %arg14[%swap3A_17], %broadcast_in_dim3A_1 {strides = array<i32>} : memref<32xi32, #tpu.memory_space<vmem>>, vector<16xi32>,
    %scan3A = arith.constant 0 : i32
    %scan3A_19 = arith.constant 0 : i32
    %scan3A_20 = arith.constant 10 : i32
    %scan3A_21 = arith.addi %scan3A_19, %scan3A_20 : i32
    %scan3A_22 = arith.constant 1 : i32
    scf.for %scan3A_460 = %scan3A_19 to %scan3A_21 step %scan3A_22  : i32 {
      %mul3A_461 = arith.constant 2000 : i32
      %mul3A_462 = arith.muli %scan3A_460, %mul3A_461 : i32
      %add3A_463 = arith.addi %mul3A_0, %mul3A_462 : i32
      %multiple_of3A = tpu.assume_multiple %add3A_463, 8 : i32
      "tpu.region"() ({
        %run_scoped3A = tpu.sem_alloc : memref<!tpu.dma_semaphore, #tpu.memory_space<semaphore_mem>>
        %dma_start3A = tpu.memref_slice %arg3[%multiple_of3A] : memref<320000xi32, #tpu.memory_space<hbm>> -> memref<2000xi32, #tpu.memory_space<hbm>>
        %dma_start3A_469 = tpu.memref_slice %arg3[%multiple_of3A] : memref<320000xi32, #tpu.memory_space<hbm>> -> memref<2000xi32, #tpu.memory_space<hbm>>
        tpu.enqueue_dma source(%dma_start3A_469 : memref<2000xi32, #tpu.memory_space<hbm>>) target(%arg9 : memref<2000xi32, #tpu.memory_space<vmem>>) target_semaphore(%run_scoped3A : memref<!tpu.dma_semaphore, #tpu.memory_space<semaphore_mem>>)
        %dma_wait3A = tpu.memref_slice %arg3[%multiple_of3A] : memref<320000xi32, #tpu.memory_space<hbm>> -> memref<2000xi32, #tpu.memory_space<hbm>>
        %dma_wait3A_470 = tpu.memref_slice %arg3[%multiple_of3A] : memref<320000xi32, #tpu.memory_space<hbm>> -> memref<2000xi32, #tpu.memory_space<hbm>>
        tpu.wait_dma2 semaphore(%run_scoped3A : memref<!tpu.dma_semaphore, #tpu.memory_space<semaphore_mem>>) src(%dma_wait3A_470 : memref<2000xi32, #tpu.memory_space<hbm>>) dst(%arg9 : memref<2000xi32, #tpu.memory_space<vmem>>)
        tpu.yield
      }) : () -> ()
      %scan3A_464 = arith.constant 0 : i32
      %scan3A_465 = arith.constant 125 : i32
      %scan3A_466 = arith.addi %scan3A_464, %scan3A_465 : i32
      %scan3A_467 = arith.constant 1 : i32
      scf.for %scan3A_469 = %scan3A_464 to %scan3A_466 step %scan3A_467  : i32 {
        %mul3A_470 = arith.constant 16 : i32
        %mul3A_471 = arith.muli %scan3A_469, %mul3A_470 : i32
        %get3A_472 = arith.index_cast %mul3A_471 : i32 to index
        %get3A_473 = tpu.vector_load %arg9[%get3A_472] {strides = array<i32>} : memref<2000xi32, #tpu.memory_space<vmem>>, vector<16xi32>,
        %broadcast_in_dim3A_474 = arith.constant true
        %broadcast_in_dim3A_475 = vector.broadcast %broadcast_in_dim3A_474 : i1 to vector<16xi1>
        %unique3A_476, %unique3A_477 = tpu.scan_count mask(%broadcast_in_dim3A_475 : vector<16xi1>) value(%get3A_473 : vector<16xi32>) : vector<16xi1>, vector<16xi32>
        %gather3A_478 = tpu.vector_load_idx %arg14[%get3A_473] : memref<32xi32, #tpu.memory_space<vmem>>[vector<16xi32>], vector<16xi32>,
        %sub3A_479 = vector.broadcast %reduce_min3A_15 : i32 to vector<16xi32>
        %sub3A_480 = arith.subi %unique3A_477, %sub3A_479 : vector<16xi32>
        %add3A_481 = arith.addi %gather3A_478, %sub3A_480 : vector<16xi32>
        %add3A_482 = arith.constant 1 : i32
        %add3A_483 = vector.broadcast %add3A_482 : i32 to vector<16xi32>
        %add3A_484 = arith.addi %add3A_481, %add3A_483 : vector<16xi32>
        tpu.vector_store_idx %arg14[%get3A_473], %add3A_484 masked %unique3A_476 : memref<32xi32, #tpu.memory_space<vmem>>[vector<16xi32>], vector<16xi32>, vector<16xi1>
      }
      %scan3A_468 = arith.constant 125 : i32
    }
    %scan3A_23 = arith.constant 10 : i32
    "tpu.region"() ({
      %run_scoped3A = tpu.sem_alloc : memref<!tpu.dma_semaphore, #tpu.memory_space<semaphore_mem>>
      %dma_start3A = arith.constant 0 : i32
      %dma_start3A_460 = tpu.memref_slice %arg19[%arg1, %dma_start3A] : memref<16x32xi32, #tpu.memory_space<vmem_shared>> -> memref<1x32xi32, #tpu.memory_space<vmem_shared>>
      %dma_start3A_461 = tpu.memref_squeeze %dma_start3A_460 : memref<1x32xi32, #tpu.memory_space<vmem_shared>> -> memref<32xi32, #tpu.memory_space<vmem_shared>>
      %dma_start3A_462 = arith.constant 0 : i32
      %dma_start3A_463 = tpu.memref_slice %arg19[%arg1, %dma_start3A_462] : memref<16x32xi32, #tpu.memory_space<vmem_shared>> -> memref<1x32xi32, #tpu.memory_space<vmem_shared>>
      %dma_start3A_464 = tpu.memref_squeeze %dma_start3A_463 : memref<1x32xi32, #tpu.memory_space<vmem_shared>> -> memref<32xi32, #tpu.memory_space<vmem_shared>>
      tpu.enqueue_dma source(%arg14 : memref<32xi32, #tpu.memory_space<vmem>>) target(%dma_start3A_464 : memref<32xi32, #tpu.memory_space<vmem_shared>>) target_semaphore(%run_scoped3A : memref<!tpu.dma_semaphore, #tpu.memory_space<semaphore_mem>>)
      %dma_wait3A = arith.constant 0 : i32
      %dma_wait3A_465 = tpu.memref_slice %arg19[%arg1, %dma_wait3A] : memref<16x32xi32, #tpu.memory_space<vmem_shared>> -> memref<1x32xi32, #tpu.memory_space<vmem_shared>>
      %dma_wait3A_466 = tpu.memref_squeeze %dma_wait3A_465 : memref<1x32xi32, #tpu.memory_space<vmem_shared>> -> memref<32xi32, #tpu.memory_space<vmem_shared>>
      %dma_wait3A_467 = arith.constant 0 : i32
      %dma_wait3A_468 = tpu.memref_slice %arg19[%arg1, %dma_wait3A_467] : memref<16x32xi32, #tpu.memory_space<vmem_shared>> -> memref<1x32xi32, #tpu.memory_space<vmem_shared>>
      %dma_wait3A_469 = tpu.memref_squeeze %dma_wait3A_468 : memref<1x32xi32, #tpu.memory_space<vmem_shared>> -> memref<32xi32, #tpu.memory_space<vmem_shared>>
      tpu.wait_dma2 semaphore(%run_scoped3A : memref<!tpu.dma_semaphore, #tpu.memory_space<semaphore_mem>>) src(%arg14 : memref<32xi32, #tpu.memory_space<vmem>>) dst(%dma_wait3A_469 : memref<32xi32, #tpu.memory_space<vmem_shared>>)
      tpu.yield
    }) : () -> ()
    %barrier3A = arith.constant 0 : index
    tpu.barrier barrier_id(%barrier3A)
    "tpu.region"() ({
      %run_scoped3A = tpu.sem_alloc : memref<!tpu.dma_semaphore, #tpu.memory_space<semaphore_mem>>
      tpu.enqueue_dma source(%arg19 : memref<16x32xi32, #tpu.memory_space<vmem_shared>>) target(%arg18 : memref<16x32xi32, #tpu.memory_space<vmem>>) target_semaphore(%run_scoped3A : memref<!tpu.dma_semaphore, #tpu.memory_space<semaphore_mem>>)
      tpu.wait_dma2 semaphore(%run_scoped3A : memref<!tpu.dma_semaphore, #tpu.memory_space<semaphore_mem>>) src(%arg19 : memref<16x32xi32, #tpu.memory_space<vmem_shared>>) dst(%arg18 : memref<16x32xi32, #tpu.memory_space<vmem>>)
      tpu.yield
    }) : () -> ()
    %get3A = arith.constant 0 : i32
    %get3A_24 = arith.index_cast %get3A : i32 to index
    %get3A_25 = arith.constant 0 : index
    %get3A_26 = tpu.vector_load %arg18[%get3A_24, %get3A_25] {strides = array<i32>} : memref<16x32xi32, #tpu.memory_space<vmem>>, vector<16xi32>,
    %get3A_27 = arith.constant 0 : i32
    %get3A_28 = arith.index_cast %get3A_27 : i32 to index
    %get3A_29 = arith.constant 16 : index
    %get3A_30 = tpu.vector_load %arg18[%get3A_28, %get3A_29] {strides = array<i32>} : memref<16x32xi32, #tpu.memory_space<vmem>>, vector<16xi32>,
    %add3A = arith.addi %broadcast_in_dim3A_1, %get3A_26 : vector<16xi32>
    %add3A_31 = arith.addi %broadcast_in_dim3A_1, %get3A_30 : vector<16xi32>
    %gt3A = arith.constant 0 : i32
    %gt3A_32 = arith.cmpi sgt, %arg1, %gt3A : i32
    %select_n3A = arith.select %gt3A_32, %get3A_26, %broadcast_in_dim3A_1 : vector<16xi32>
    %add3A_33 = arith.addi %broadcast_in_dim3A_1, %select_n3A : vector<16xi32>
    %select_n3A_34 = arith.select %gt3A_32, %get3A_30, %broadcast_in_dim3A_1 : vector<16xi32>
    %add3A_35 = arith.addi %broadcast_in_dim3A_1, %select_n3A_34 : vector<16xi32>
    %get3A_36 = arith.constant 1 : i32
    %get3A_37 = arith.index_cast %get3A_36 : i32 to index
    %get3A_38 = arith.constant 0 : index
    %get3A_39 = tpu.vector_load %arg18[%get3A_37, %get3A_38] {strides = array<i32>} : memref<16x32xi32, #tpu.memory_space<vmem>>, vector<16xi32>,
    %get3A_40 = arith.constant 1 : i32
    %get3A_41 = arith.index_cast %get3A_40 : i32 to index
    %get3A_42 = arith.constant 16 : index
    %get3A_43 = tpu.vector_load %arg18[%get3A_41, %get3A_42] {strides = array<i32>} : memref<16x32xi32, #tpu.memory_space<vmem>>, vector<16xi32>,
    %add3A_44 = arith.addi %add3A, %get3A_39 : vector<16xi32>
    %add3A_45 = arith.addi %add3A_31, %get3A_43 : vector<16xi32>
    %gt3A_46 = arith.constant 1 : i32
    %gt3A_47 = arith.cmpi sgt, %arg1, %gt3A_46 : i32
    %select_n3A_48 = arith.select %gt3A_47, %get3A_39, %broadcast_in_dim3A_1 : vector<16xi32>
    %add3A_49 = arith.addi %add3A_33, %select_n3A_48 : vector<16xi32>
    %select_n3A_50 = arith.select %gt3A_47, %get3A_43, %broadcast_in_dim3A_1 : vector<16xi32>
    %add3A_51 = arith.addi %add3A_35, %select_n3A_50 : vector<16xi32>
    %get3A_52 = arith.constant 2 : i32
    %get3A_53 = arith.index_cast %get3A_52 : i32 to index
    %get3A_54 = arith.constant 0 : index
    %get3A_55 = tpu.vector_load %arg18[%get3A_53, %get3A_54] {strides = array<i32>} : memref<16x32xi32, #tpu.memory_space<vmem>>, vector<16xi32>,
    %get3A_56 = arith.constant 2 : i32
    %get3A_57 = arith.index_cast %get3A_56 : i32 to index
    %get3A_58 = arith.constant 16 : index
    %get3A_59 = tpu.vector_load %arg18[%get3A_57, %get3A_58] {strides = array<i32>} : memref<16x32xi32, #tpu.memory_space<vmem>>, vector<16xi32>,
    %add3A_60 = arith.addi %add3A_44, %get3A_55 : vector<16xi32>
    %add3A_61 = arith.addi %add3A_45, %get3A_59 : vector<16xi32>
    %gt3A_62 = arith.constant 2 : i32
    %gt3A_63 = arith.cmpi sgt, %arg1, %gt3A_62 : i32
    %select_n3A_64 = arith.select %gt3A_63, %get3A_55, %broadcast_in_dim3A_1 : vector<16xi32>
    %add3A_65 = arith.addi %add3A_49, %select_n3A_64 : vector<16xi32>
    %select_n3A_66 = arith.select %gt3A_63, %get3A_59, %broadcast_in_dim3A_1 : vector<16xi32>
    %add3A_67 = arith.addi %add3A_51, %select_n3A_66 : vector<16xi32>
    %get3A_68 = arith.constant 3 : i32
    %get3A_69 = arith.index_cast %get3A_68 : i32 to index
    %get3A_70 = arith.constant 0 : index
    %get3A_71 = tpu.vector_load %arg18[%get3A_69, %get3A_70] {strides = array<i32>} : memref<16x32xi32, #tpu.memory_space<vmem>>, vector<16xi32>,
    %get3A_72 = arith.constant 3 : i32
    %get3A_73 = arith.index_cast %get3A_72 : i32 to index
    %get3A_74 = arith.constant 16 : index
    %get3A_75 = tpu.vector_load %arg18[%get3A_73, %get3A_74] {strides = array<i32>} : memref<16x32xi32, #tpu.memory_space<vmem>>, vector<16xi32>,
    %add3A_76 = arith.addi %add3A_60, %get3A_71 : vector<16xi32>
    %add3A_77 = arith.addi %add3A_61, %get3A_75 : vector<16xi32>
    %gt3A_78 = arith.constant 3 : i32
    %gt3A_79 = arith.cmpi sgt, %arg1, %gt3A_78 : i32
    %select_n3A_80 = arith.select %gt3A_79, %get3A_71, %broadcast_in_dim3A_1 : vector<16xi32>
    %add3A_81 = arith.addi %add3A_65, %select_n3A_80 : vector<16xi32>
    %select_n3A_82 = arith.select %gt3A_79, %get3A_75, %broadcast_in_dim3A_1 : vector<16xi32>
    %add3A_83 = arith.addi %add3A_67, %select_n3A_82 : vector<16xi32>
    %get3A_84 = arith.constant 4 : i32
    %get3A_85 = arith.index_cast %get3A_84 : i32 to index
    %get3A_86 = arith.constant 0 : index
    %get3A_87 = tpu.vector_load %arg18[%get3A_85, %get3A_86] {strides = array<i32>} : memref<16x32xi32, #tpu.memory_space<vmem>>, vector<16xi32>,
    %get3A_88 = arith.constant 4 : i32
    %get3A_89 = arith.index_cast %get3A_88 : i32 to index
    %get3A_90 = arith.constant 16 : index
    %get3A_91 = tpu.vector_load %arg18[%get3A_89, %get3A_90] {strides = array<i32>} : memref<16x32xi32, #tpu.memory_space<vmem>>, vector<16xi32>,
    %add3A_92 = arith.addi %add3A_76, %get3A_87 : vector<16xi32>
    %add3A_93 = arith.addi %add3A_77, %get3A_91 : vector<16xi32>
    %gt3A_94 = arith.constant 4 : i32
    %gt3A_95 = arith.cmpi sgt, %arg1, %gt3A_94 : i32
    %select_n3A_96 = arith.select %gt3A_95, %get3A_87, %broadcast_in_dim3A_1 : vector<16xi32>
    %add3A_97 = arith.addi %add3A_81, %select_n3A_96 : vector<16xi32>
    %select_n3A_98 = arith.select %gt3A_95, %get3A_91, %broadcast_in_dim3A_1 : vector<16xi32>
    %add3A_99 = arith.addi %add3A_83, %select_n3A_98 : vector<16xi32>
    %get3A_100 = arith.constant 5 : i32
    %get3A_101 = arith.index_cast %get3A_100 : i32 to index
    %get3A_102 = arith.constant 0 : index
    %get3A_103 = tpu.vector_load %arg18[%get3A_101, %get3A_102] {strides = array<i32>} : memref<16x32xi32, #tpu.memory_space<vmem>>, vector<16xi32>,
    %get3A_104 = arith.constant 5 : i32
    %get3A_105 = arith.index_cast %get3A_104 : i32 to index
    %get3A_106 = arith.constant 16 : index
    %get3A_107 = tpu.vector_load %arg18[%get3A_105, %get3A_106] {strides = array<i32>} : memref<16x32xi32, #tpu.memory_space<vmem>>, vector<16xi32>,
    %add3A_108 = arith.addi %add3A_92, %get3A_103 : vector<16xi32>
    %add3A_109 = arith.addi %add3A_93, %get3A_107 : vector<16xi32>
    %gt3A_110 = arith.constant 5 : i32
    %gt3A_111 = arith.cmpi sgt, %arg1, %gt3A_110 : i32
    %select_n3A_112 = arith.select %gt3A_111, %get3A_103, %broadcast_in_dim3A_1 : vector<16xi32>
    %add3A_113 = arith.addi %add3A_97, %select_n3A_112 : vector<16xi32>
    %select_n3A_114 = arith.select %gt3A_111, %get3A_107, %broadcast_in_dim3A_1 : vector<16xi32>
    %add3A_115 = arith.addi %add3A_99, %select_n3A_114 : vector<16xi32>
    %get3A_116 = arith.constant 6 : i32
    %get3A_117 = arith.index_cast %get3A_116 : i32 to index
    %get3A_118 = arith.constant 0 : index
    %get3A_119 = tpu.vector_load %arg18[%get3A_117, %get3A_118] {strides = array<i32>} : memref<16x32xi32, #tpu.memory_space<vmem>>, vector<16xi32>,
    %get3A_120 = arith.constant 6 : i32
    %get3A_121 = arith.index_cast %get3A_120 : i32 to index
    %get3A_122 = arith.constant 16 : index
    %get3A_123 = tpu.vector_load %arg18[%get3A_121, %get3A_122] {strides = array<i32>} : memref<16x32xi32, #tpu.memory_space<vmem>>, vector<16xi32>,
    %add3A_124 = arith.addi %add3A_108, %get3A_119 : vector<16xi32>
    %add3A_125 = arith.addi %add3A_109, %get3A_123 : vector<16xi32>
    %gt3A_126 = arith.constant 6 : i32
    %gt3A_127 = arith.cmpi sgt, %arg1, %gt3A_126 : i32
    %select_n3A_128 = arith.select %gt3A_127, %get3A_119, %broadcast_in_dim3A_1 : vector<16xi32>
    %add3A_129 = arith.addi %add3A_113, %select_n3A_128 : vector<16xi32>
    %select_n3A_130 = arith.select %gt3A_127, %get3A_123, %broadcast_in_dim3A_1 : vector<16xi32>
    %add3A_131 = arith.addi %add3A_115, %select_n3A_130 : vector<16xi32>
    %get3A_132 = arith.constant 7 : i32
    %get3A_133 = arith.index_cast %get3A_132 : i32 to index
    %get3A_134 = arith.constant 0 : index
    %get3A_135 = tpu.vector_load %arg18[%get3A_133, %get3A_134] {strides = array<i32>} : memref<16x32xi32, #tpu.memory_space<vmem>>, vector<16xi32>,
    %get3A_136 = arith.constant 7 : i32
    %get3A_137 = arith.index_cast %get3A_136 : i32 to index
    %get3A_138 = arith.constant 16 : index
    %get3A_139 = tpu.vector_load %arg18[%get3A_137, %get3A_138] {strides = array<i32>} : memref<16x32xi32, #tpu.memory_space<vmem>>, vector<16xi32>,
    %add3A_140 = arith.addi %add3A_124, %get3A_135 : vector<16xi32>
    %add3A_141 = arith.addi %add3A_125, %get3A_139 : vector<16xi32>
    %gt3A_142 = arith.constant 7 : i32
    %gt3A_143 = arith.cmpi sgt, %arg1, %gt3A_142 : i32
    %select_n3A_144 = arith.select %gt3A_143, %get3A_135, %broadcast_in_dim3A_1 : vector<16xi32>
    %add3A_145 = arith.addi %add3A_129, %select_n3A_144 : vector<16xi32>
    %select_n3A_146 = arith.select %gt3A_143, %get3A_139, %broadcast_in_dim3A_1 : vector<16xi32>
    %add3A_147 = arith.addi %add3A_131, %select_n3A_146 : vector<16xi32>
    %get3A_148 = arith.constant 8 : i32
    %get3A_149 = arith.index_cast %get3A_148 : i32 to index
    %get3A_150 = arith.constant 0 : index
    %get3A_151 = tpu.vector_load %arg18[%get3A_149, %get3A_150] {strides = array<i32>} : memref<16x32xi32, #tpu.memory_space<vmem>>, vector<16xi32>,
    %get3A_152 = arith.constant 8 : i32
    %get3A_153 = arith.index_cast %get3A_152 : i32 to index
    %get3A_154 = arith.constant 16 : index
    %get3A_155 = tpu.vector_load %arg18[%get3A_153, %get3A_154] {strides = array<i32>} : memref<16x32xi32, #tpu.memory_space<vmem>>, vector<16xi32>,
    %add3A_156 = arith.addi %add3A_140, %get3A_151 : vector<16xi32>
    %add3A_157 = arith.addi %add3A_141, %get3A_155 : vector<16xi32>
    %gt3A_158 = arith.constant 8 : i32
    %gt3A_159 = arith.cmpi sgt, %arg1, %gt3A_158 : i32
    %select_n3A_160 = arith.select %gt3A_159, %get3A_151, %broadcast_in_dim3A_1 : vector<16xi32>
    %add3A_161 = arith.addi %add3A_145, %select_n3A_160 : vector<16xi32>
    %select_n3A_162 = arith.select %gt3A_159, %get3A_155, %broadcast_in_dim3A_1 : vector<16xi32>
    %add3A_163 = arith.addi %add3A_147, %select_n3A_162 : vector<16xi32>
    %get3A_164 = arith.constant 9 : i32
    %get3A_165 = arith.index_cast %get3A_164 : i32 to index
    %get3A_166 = arith.constant 0 : index
    %get3A_167 = tpu.vector_load %arg18[%get3A_165, %get3A_166] {strides = array<i32>} : memref<16x32xi32, #tpu.memory_space<vmem>>, vector<16xi32>,
    %get3A_168 = arith.constant 9 : i32
    %get3A_169 = arith.index_cast %get3A_168 : i32 to index
    %get3A_170 = arith.constant 16 : index
    %get3A_171 = tpu.vector_load %arg18[%get3A_169, %get3A_170] {strides = array<i32>} : memref<16x32xi32, #tpu.memory_space<vmem>>, vector<16xi32>,
    %add3A_172 = arith.addi %add3A_156, %get3A_167 : vector<16xi32>
    %add3A_173 = arith.addi %add3A_157, %get3A_171 : vector<16xi32>
    %gt3A_174 = arith.constant 9 : i32
    %gt3A_175 = arith.cmpi sgt, %arg1, %gt3A_174 : i32
    %select_n3A_176 = arith.select %gt3A_175, %get3A_167, %broadcast_in_dim3A_1 : vector<16xi32>
    %add3A_177 = arith.addi %add3A_161, %select_n3A_176 : vector<16xi32>
    %select_n3A_178 = arith.select %gt3A_175, %get3A_171, %broadcast_in_dim3A_1 : vector<16xi32>
    %add3A_179 = arith.addi %add3A_163, %select_n3A_178 : vector<16xi32>
    %get3A_180 = arith.constant 10 : i32
    %get3A_181 = arith.index_cast %get3A_180 : i32 to index
    %get3A_182 = arith.constant 0 : index
    %get3A_183 = tpu.vector_load %arg18[%get3A_181, %get3A_182] {strides = array<i32>} : memref<16x32xi32, #tpu.memory_space<vmem>>, vector<16xi32>,
    %get3A_184 = arith.constant 10 : i32
    %get3A_185 = arith.index_cast %get3A_184 : i32 to index
    %get3A_186 = arith.constant 16 : index
    %get3A_187 = tpu.vector_load %arg18[%get3A_185, %get3A_186] {strides = array<i32>} : memref<16x32xi32, #tpu.memory_space<vmem>>, vector<16xi32>,
    %add3A_188 = arith.addi %add3A_172, %get3A_183 : vector<16xi32>
    %add3A_189 = arith.addi %add3A_173, %get3A_187 : vector<16xi32>
    %gt3A_190 = arith.constant 10 : i32
    %gt3A_191 = arith.cmpi sgt, %arg1, %gt3A_190 : i32
    %select_n3A_192 = arith.select %gt3A_191, %get3A_183, %broadcast_in_dim3A_1 : vector<16xi32>
    %add3A_193 = arith.addi %add3A_177, %select_n3A_192 : vector<16xi32>
    %select_n3A_194 = arith.select %gt3A_191, %get3A_187, %broadcast_in_dim3A_1 : vector<16xi32>
    %add3A_195 = arith.addi %add3A_179, %select_n3A_194 : vector<16xi32>
    %get3A_196 = arith.constant 11 : i32
    %get3A_197 = arith.index_cast %get3A_196 : i32 to index
    %get3A_198 = arith.constant 0 : index
    %get3A_199 = tpu.vector_load %arg18[%get3A_197, %get3A_198] {strides = array<i32>} : memref<16x32xi32, #tpu.memory_space<vmem>>, vector<16xi32>,
    %get3A_200 = arith.constant 11 : i32
    %get3A_201 = arith.index_cast %get3A_200 : i32 to index
    %get3A_202 = arith.constant 16 : index
    %get3A_203 = tpu.vector_load %arg18[%get3A_201, %get3A_202] {strides = array<i32>} : memref<16x32xi32, #tpu.memory_space<vmem>>, vector<16xi32>,
    %add3A_204 = arith.addi %add3A_188, %get3A_199 : vector<16xi32>
    %add3A_205 = arith.addi %add3A_189, %get3A_203 : vector<16xi32>
    %gt3A_206 = arith.constant 11 : i32
    %gt3A_207 = arith.cmpi sgt, %arg1, %gt3A_206 : i32
    %select_n3A_208 = arith.select %gt3A_207, %get3A_199, %broadcast_in_dim3A_1 : vector<16xi32>
    %add3A_209 = arith.addi %add3A_193, %select_n3A_208 : vector<16xi32>
    %select_n3A_210 = arith.select %gt3A_207, %get3A_203, %broadcast_in_dim3A_1 : vector<16xi32>
    %add3A_211 = arith.addi %add3A_195, %select_n3A_210 : vector<16xi32>
    %get3A_212 = arith.constant 12 : i32
    %get3A_213 = arith.index_cast %get3A_212 : i32 to index
    %get3A_214 = arith.constant 0 : index
    %get3A_215 = tpu.vector_load %arg18[%get3A_213, %get3A_214] {strides = array<i32>} : memref<16x32xi32, #tpu.memory_space<vmem>>, vector<16xi32>,
    %get3A_216 = arith.constant 12 : i32
    %get3A_217 = arith.index_cast %get3A_216 : i32 to index
    %get3A_218 = arith.constant 16 : index
    %get3A_219 = tpu.vector_load %arg18[%get3A_217, %get3A_218] {strides = array<i32>} : memref<16x32xi32, #tpu.memory_space<vmem>>, vector<16xi32>,
    %add3A_220 = arith.addi %add3A_204, %get3A_215 : vector<16xi32>
    %add3A_221 = arith.addi %add3A_205, %get3A_219 : vector<16xi32>
    %gt3A_222 = arith.constant 12 : i32
    %gt3A_223 = arith.cmpi sgt, %arg1, %gt3A_222 : i32
    %select_n3A_224 = arith.select %gt3A_223, %get3A_215, %broadcast_in_dim3A_1 : vector<16xi32>
    %add3A_225 = arith.addi %add3A_209, %select_n3A_224 : vector<16xi32>
    %select_n3A_226 = arith.select %gt3A_223, %get3A_219, %broadcast_in_dim3A_1 : vector<16xi32>
    %add3A_227 = arith.addi %add3A_211, %select_n3A_226 : vector<16xi32>
    %get3A_228 = arith.constant 13 : i32
    %get3A_229 = arith.index_cast %get3A_228 : i32 to index
    %get3A_230 = arith.constant 0 : index
    %get3A_231 = tpu.vector_load %arg18[%get3A_229, %get3A_230] {strides = array<i32>} : memref<16x32xi32, #tpu.memory_space<vmem>>, vector<16xi32>,
    %get3A_232 = arith.constant 13 : i32
    %get3A_233 = arith.index_cast %get3A_232 : i32 to index
    %get3A_234 = arith.constant 16 : index
    %get3A_235 = tpu.vector_load %arg18[%get3A_233, %get3A_234] {strides = array<i32>} : memref<16x32xi32, #tpu.memory_space<vmem>>, vector<16xi32>,
    %add3A_236 = arith.addi %add3A_220, %get3A_231 : vector<16xi32>
    %add3A_237 = arith.addi %add3A_221, %get3A_235 : vector<16xi32>
    %gt3A_238 = arith.constant 13 : i32
    %gt3A_239 = arith.cmpi sgt, %arg1, %gt3A_238 : i32
    %select_n3A_240 = arith.select %gt3A_239, %get3A_231, %broadcast_in_dim3A_1 : vector<16xi32>
    %add3A_241 = arith.addi %add3A_225, %select_n3A_240 : vector<16xi32>
    %select_n3A_242 = arith.select %gt3A_239, %get3A_235, %broadcast_in_dim3A_1 : vector<16xi32>
    %add3A_243 = arith.addi %add3A_227, %select_n3A_242 : vector<16xi32>
    %get3A_244 = arith.constant 14 : i32
    %get3A_245 = arith.index_cast %get3A_244 : i32 to index
    %get3A_246 = arith.constant 0 : index
    %get3A_247 = tpu.vector_load %arg18[%get3A_245, %get3A_246] {strides = array<i32>} : memref<16x32xi32, #tpu.memory_space<vmem>>, vector<16xi32>,
    %get3A_248 = arith.constant 14 : i32
    %get3A_249 = arith.index_cast %get3A_248 : i32 to index
    %get3A_250 = arith.constant 16 : index
    %get3A_251 = tpu.vector_load %arg18[%get3A_249, %get3A_250] {strides = array<i32>} : memref<16x32xi32, #tpu.memory_space<vmem>>, vector<16xi32>,
    %add3A_252 = arith.addi %add3A_236, %get3A_247 : vector<16xi32>
    %add3A_253 = arith.addi %add3A_237, %get3A_251 : vector<16xi32>
    %gt3A_254 = arith.constant 14 : i32
    %gt3A_255 = arith.cmpi sgt, %arg1, %gt3A_254 : i32
    %select_n3A_256 = arith.select %gt3A_255, %get3A_247, %broadcast_in_dim3A_1 : vector<16xi32>
    %add3A_257 = arith.addi %add3A_241, %select_n3A_256 : vector<16xi32>
    %select_n3A_258 = arith.select %gt3A_255, %get3A_251, %broadcast_in_dim3A_1 : vector<16xi32>
    %add3A_259 = arith.addi %add3A_243, %select_n3A_258 : vector<16xi32>
    %get3A_260 = arith.constant 15 : i32
    %get3A_261 = arith.index_cast %get3A_260 : i32 to index
    %get3A_262 = arith.constant 0 : index
    %get3A_263 = tpu.vector_load %arg18[%get3A_261, %get3A_262] {strides = array<i32>} : memref<16x32xi32, #tpu.memory_space<vmem>>, vector<16xi32>,
    %get3A_264 = arith.constant 15 : i32
    %get3A_265 = arith.index_cast %get3A_264 : i32 to index
    %get3A_266 = arith.constant 16 : index
    %get3A_267 = tpu.vector_load %arg18[%get3A_265, %get3A_266] {strides = array<i32>} : memref<16x32xi32, #tpu.memory_space<vmem>>, vector<16xi32>,
    %add3A_268 = arith.addi %add3A_252, %get3A_263 : vector<16xi32>
    %add3A_269 = arith.addi %add3A_253, %get3A_267 : vector<16xi32>
    %gt3A_270 = arith.constant 15 : i32
    %gt3A_271 = arith.cmpi sgt, %arg1, %gt3A_270 : i32
    %select_n3A_272 = arith.select %gt3A_271, %get3A_263, %broadcast_in_dim3A_1 : vector<16xi32>
    %add3A_273 = arith.addi %add3A_257, %select_n3A_272 : vector<16xi32>
    %select_n3A_274 = arith.select %gt3A_271, %get3A_267, %broadcast_in_dim3A_1 : vector<16xi32>
    %add3A_275 = arith.addi %add3A_259, %select_n3A_274 : vector<16xi32>
    %add3A_276 = arith.constant 127 : i32
    %add3A_277 = vector.broadcast %add3A_276 : i32 to vector<16xi32>
    %add3A_278 = arith.addi %add3A_268, %add3A_277 : vector<16xi32>
    %and3A = arith.constant -128 : i32
    %and3A_279 = vector.broadcast %and3A : i32 to vector<16xi32>
    %and3A_280 = arith.andi %add3A_278, %and3A_279 : vector<16xi32>
    %add3A_281 = arith.constant 127 : i32
    %add3A_282 = vector.broadcast %add3A_281 : i32 to vector<16xi32>
    %add3A_283 = arith.addi %add3A_269, %add3A_282 : vector<16xi32>
    %and3A_284 = arith.constant -128 : i32
    %and3A_285 = vector.broadcast %and3A_284 : i32 to vector<16xi32>
    %and3A_286 = arith.andi %add3A_283, %and3A_285 : vector<16xi32>
    %broadcast_in_dim3A_287 = arith.constant true
    %broadcast_in_dim3A_288 = vector.broadcast %broadcast_in_dim3A_287 : i1 to vector<16xi1>
    %masked_cumsum3A = tpu.scan <sum>, %and3A_280 masked %broadcast_in_dim3A_288 : vector<16xi32>, vector<16xi1> -> vector<16xi32>
    %broadcast_in_dim3A_289 = arith.constant true
    %broadcast_in_dim3A_290 = vector.broadcast %broadcast_in_dim3A_289 : i1 to vector<16xi1>
    %masked_cumsum3A_291 = tpu.scan <sum>, %and3A_286 masked %broadcast_in_dim3A_290 : vector<16xi32>, vector<16xi1> -> vector<16xi32>
    %reduce_max3A = arith.constant true
    %reduce_max3A_292 = vector.broadcast %reduce_max3A : i1 to vector<16xi1>
    %reduce_max3A_293 = arith.constant -2147483648 : i32
    %reduce_max3A_294 = vector.broadcast %reduce_max3A_293 : i32 to vector<16xi32>
    %reduce_max3A_295 = arith.xori %masked_cumsum3A, %reduce_max3A_294 : vector<16xi32>
    %reduce_max3A_296 = tpu.scan <max>, %reduce_max3A_295 masked %reduce_max3A_292 : vector<16xi32>, vector<16xi1> -> vector<16xi32>
    %reduce_max3A_297 = arith.xori %reduce_max3A_296, %reduce_max3A_294 : vector<16xi32>
    %reduce_max3A_298 = vector.extract %reduce_max3A_297[15] : i32 from vector<16xi32>
    %sub3A = arith.subi %masked_cumsum3A, %and3A_280 : vector<16xi32>
    %sub3A_299 = arith.subi %masked_cumsum3A_291, %and3A_286 : vector<16xi32>
    %add3A_300 = vector.broadcast %reduce_max3A_298 : i32 to vector<16xi32>
    %add3A_301 = arith.addi %sub3A_299, %add3A_300 : vector<16xi32>
    %swap3A_302 = arith.constant 0 : index
    %swap3A_303 = tpu.vector_load %arg16[%swap3A_302] {strides = array<i32>} : memref<32xi32, #tpu.memory_space<vmem>>, vector<16xi32>,
    tpu.vector_store %arg16[%swap3A_302], %sub3A {strides = array<i32>} : memref<32xi32, #tpu.memory_space<vmem>>, vector<16xi32>,
    %swap3A_304 = arith.constant 16 : index
    %swap3A_305 = tpu.vector_load %arg16[%swap3A_304] {strides = array<i32>} : memref<32xi32, #tpu.memory_space<vmem>>, vector<16xi32>,
    tpu.vector_store %arg16[%swap3A_304], %add3A_301 {strides = array<i32>} : memref<32xi32, #tpu.memory_space<vmem>>, vector<16xi32>,
    %swap3A_306 = arith.constant 0 : index
    %swap3A_307 = tpu.vector_load %arg17[%swap3A_306] {strides = array<i32>} : memref<32xi32, #tpu.memory_space<vmem>>, vector<16xi32>,
    tpu.vector_store %arg17[%swap3A_306], %add3A_268 {strides = array<i32>} : memref<32xi32, #tpu.memory_space<vmem>>, vector<16xi32>,
    %swap3A_308 = arith.constant 16 : index
    %swap3A_309 = tpu.vector_load %arg17[%swap3A_308] {strides = array<i32>} : memref<32xi32, #tpu.memory_space<vmem>>, vector<16xi32>,
    tpu.vector_store %arg17[%swap3A_308], %add3A_269 {strides = array<i32>} : memref<32xi32, #tpu.memory_space<vmem>>, vector<16xi32>,
    %add3A_310 = arith.addi %sub3A, %add3A_273 : vector<16xi32>
    %swap3A_311 = arith.constant 0 : index
    %swap3A_312 = tpu.vector_load %arg15[%swap3A_311] {strides = array<i32>} : memref<32xi32, #tpu.memory_space<vmem>>, vector<16xi32>,
    tpu.vector_store %arg15[%swap3A_311], %add3A_310 {strides = array<i32>} : memref<32xi32, #tpu.memory_space<vmem>>, vector<16xi32>,
    %add3A_313 = arith.addi %add3A_301, %add3A_275 : vector<16xi32>
    %swap3A_314 = arith.constant 16 : index
    %swap3A_315 = tpu.vector_load %arg15[%swap3A_314] {strides = array<i32>} : memref<32xi32, #tpu.memory_space<vmem>>, vector<16xi32>,
    tpu.vector_store %arg15[%swap3A_314], %add3A_313 {strides = array<i32>} : memref<32xi32, #tpu.memory_space<vmem>>, vector<16xi32>,
    %scan3A_316 = arith.constant 0 : i32
    %scan3A_317 = arith.constant 0 : i32
    %scan3A_318 = arith.constant 10 : i32
    %scan3A_319 = arith.addi %scan3A_317, %scan3A_318 : i32
    %scan3A_320 = arith.constant 1 : i32
    scf.for %scan3A_460 = %scan3A_317 to %scan3A_319 step %scan3A_320  : i32 {
      %mul3A_461 = arith.constant 2000 : i32
      %mul3A_462 = arith.muli %scan3A_460, %mul3A_461 : i32
      %add3A_463 = arith.addi %mul3A_0, %mul3A_462 : i32
      %multiple_of3A = tpu.assume_multiple %add3A_463, 8 : i32
      "tpu.region"() ({
        %run_scoped3A = tpu.sem_alloc : memref<!tpu.dma_semaphore, #tpu.memory_space<semaphore_mem>>
        %dma_start3A = tpu.memref_slice %arg3[%multiple_of3A] : memref<320000xi32, #tpu.memory_space<hbm>> -> memref<2000xi32, #tpu.memory_space<hbm>>
        %dma_start3A_476 = tpu.memref_slice %arg3[%multiple_of3A] : memref<320000xi32, #tpu.memory_space<hbm>> -> memref<2000xi32, #tpu.memory_space<hbm>>
        tpu.enqueue_dma source(%dma_start3A_476 : memref<2000xi32, #tpu.memory_space<hbm>>) target(%arg9 : memref<2000xi32, #tpu.memory_space<vmem>>) target_semaphore(%run_scoped3A : memref<!tpu.dma_semaphore, #tpu.memory_space<semaphore_mem>>)
        %dma_wait3A = tpu.memref_slice %arg3[%multiple_of3A] : memref<320000xi32, #tpu.memory_space<hbm>> -> memref<2000xi32, #tpu.memory_space<hbm>>
        %dma_wait3A_477 = tpu.memref_slice %arg3[%multiple_of3A] : memref<320000xi32, #tpu.memory_space<hbm>> -> memref<2000xi32, #tpu.memory_space<hbm>>
        tpu.wait_dma2 semaphore(%run_scoped3A : memref<!tpu.dma_semaphore, #tpu.memory_space<semaphore_mem>>) src(%dma_wait3A_477 : memref<2000xi32, #tpu.memory_space<hbm>>) dst(%arg9 : memref<2000xi32, #tpu.memory_space<vmem>>)
        tpu.yield
      }) : () -> ()
      "tpu.region"() ({
        %run_scoped3A = tpu.sem_alloc : memref<!tpu.dma_semaphore, #tpu.memory_space<semaphore_mem>>
        %dma_start3A = tpu.memref_slice %arg4[%multiple_of3A] : memref<320000xi32, #tpu.memory_space<hbm>> -> memref<2000xi32, #tpu.memory_space<hbm>>
        %dma_start3A_476 = tpu.memref_slice %arg4[%multiple_of3A] : memref<320000xi32, #tpu.memory_space<hbm>> -> memref<2000xi32, #tpu.memory_space<hbm>>
        tpu.enqueue_dma source(%dma_start3A_476 : memref<2000xi32, #tpu.memory_space<hbm>>) target(%arg10 : memref<2000xi32, #tpu.memory_space<vmem>>) target_semaphore(%run_scoped3A : memref<!tpu.dma_semaphore, #tpu.memory_space<semaphore_mem>>)
        %dma_wait3A = tpu.memref_slice %arg4[%multiple_of3A] : memref<320000xi32, #tpu.memory_space<hbm>> -> memref<2000xi32, #tpu.memory_space<hbm>>
        %dma_wait3A_477 = tpu.memref_slice %arg4[%multiple_of3A] : memref<320000xi32, #tpu.memory_space<hbm>> -> memref<2000xi32, #tpu.memory_space<hbm>>
        tpu.wait_dma2 semaphore(%run_scoped3A : memref<!tpu.dma_semaphore, #tpu.memory_space<semaphore_mem>>) src(%dma_wait3A_477 : memref<2000xi32, #tpu.memory_space<hbm>>) dst(%arg10 : memref<2000xi32, #tpu.memory_space<vmem>>)
        tpu.yield
      }) : () -> ()
      "tpu.region"() ({
        %run_scoped3A = tpu.sem_alloc : memref<!tpu.dma_semaphore, #tpu.memory_space<semaphore_mem>>
        %dma_start3A = tpu.memref_slice %arg5[%multiple_of3A] : memref<320000xi32, #tpu.memory_space<hbm>> -> memref<2000xi32, #tpu.memory_space<hbm>>
        %dma_start3A_476 = tpu.memref_slice %arg5[%multiple_of3A] : memref<320000xi32, #tpu.memory_space<hbm>> -> memref<2000xi32, #tpu.memory_space<hbm>>
        tpu.enqueue_dma source(%dma_start3A_476 : memref<2000xi32, #tpu.memory_space<hbm>>) target(%arg11 : memref<2000xi32, #tpu.memory_space<vmem>>) target_semaphore(%run_scoped3A : memref<!tpu.dma_semaphore, #tpu.memory_space<semaphore_mem>>)
        %dma_wait3A = tpu.memref_slice %arg5[%multiple_of3A] : memref<320000xi32, #tpu.memory_space<hbm>> -> memref<2000xi32, #tpu.memory_space<hbm>>
        %dma_wait3A_477 = tpu.memref_slice %arg5[%multiple_of3A] : memref<320000xi32, #tpu.memory_space<hbm>> -> memref<2000xi32, #tpu.memory_space<hbm>>
        tpu.wait_dma2 semaphore(%run_scoped3A : memref<!tpu.dma_semaphore, #tpu.memory_space<semaphore_mem>>) src(%dma_wait3A_477 : memref<2000xi32, #tpu.memory_space<hbm>>) dst(%arg11 : memref<2000xi32, #tpu.memory_space<vmem>>)
        tpu.yield
      }) : () -> ()
      "tpu.region"() ({
        %run_scoped3A = tpu.sem_alloc : memref<!tpu.dma_semaphore, #tpu.memory_space<semaphore_mem>>
        %dma_start3A = tpu.memref_slice %arg6[%multiple_of3A] : memref<320000xf32, #tpu.memory_space<hbm>> -> memref<2000xf32, #tpu.memory_space<hbm>>
        %dma_start3A_476 = tpu.memref_slice %arg6[%multiple_of3A] : memref<320000xf32, #tpu.memory_space<hbm>> -> memref<2000xf32, #tpu.memory_space<hbm>>
        tpu.enqueue_dma source(%dma_start3A_476 : memref<2000xf32, #tpu.memory_space<hbm>>) target(%arg12 : memref<2000xf32, #tpu.memory_space<vmem>>) target_semaphore(%run_scoped3A : memref<!tpu.dma_semaphore, #tpu.memory_space<semaphore_mem>>)
        %dma_wait3A = tpu.memref_slice %arg6[%multiple_of3A] : memref<320000xf32, #tpu.memory_space<hbm>> -> memref<2000xf32, #tpu.memory_space<hbm>>
        %dma_wait3A_477 = tpu.memref_slice %arg6[%multiple_of3A] : memref<320000xf32, #tpu.memory_space<hbm>> -> memref<2000xf32, #tpu.memory_space<hbm>>
        tpu.wait_dma2 semaphore(%run_scoped3A : memref<!tpu.dma_semaphore, #tpu.memory_space<semaphore_mem>>) src(%dma_wait3A_477 : memref<2000xf32, #tpu.memory_space<hbm>>) dst(%arg12 : memref<2000xf32, #tpu.memory_space<vmem>>)
        tpu.yield
      }) : () -> ()
      %scan3A_464 = arith.constant 0 : i32
      %scan3A_465 = arith.constant 0 : i32
      %scan3A_466 = arith.constant 25 : i32
      %scan3A_467 = arith.addi %scan3A_465, %scan3A_466 : i32
      %scan3A_468 = arith.constant 1 : i32
      scf.for %scan3A_476 = %scan3A_465 to %scan3A_467 step %scan3A_468  : i32 {
        %scan3A_477 = arith.constant 0 : i32
        %scan3A_478 = arith.constant 0 : i32
        %scan3A_479 = arith.constant 5 : i32
        %scan3A_480 = arith.addi %scan3A_478, %scan3A_479 : i32
        %scan3A_481 = arith.constant 1 : i32
        scf.for %scan3A_502 = %scan3A_478 to %scan3A_480 step %scan3A_481  : i32 {
          %mul3A_503 = arith.constant 5 : i32
          %mul3A_504 = arith.muli %scan3A_476, %mul3A_503 : i32
          %add3A_505 = arith.addi %mul3A_504, %scan3A_502 : i32
          %mul3A_506 = arith.constant 16 : i32
          %mul3A_507 = arith.muli %add3A_505, %mul3A_506 : i32
          %get3A_508 = arith.index_cast %mul3A_507 : i32 to index
          %get3A_509 = tpu.vector_load %arg9[%get3A_508] {strides = array<i32>} : memref<2000xi32, #tpu.memory_space<vmem>>, vector<16xi32>,
          %broadcast_in_dim3A_510 = arith.constant true
          %broadcast_in_dim3A_511 = vector.broadcast %broadcast_in_dim3A_510 : i1 to vector<16xi1>
          %unique3A_512, %unique3A_513 = tpu.scan_count mask(%broadcast_in_dim3A_511 : vector<16xi1>) value(%get3A_509 : vector<16xi32>) : vector<16xi1>, vector<16xi32>
          %gather3A_514 = tpu.vector_load_idx %arg15[%get3A_509] : memref<32xi32, #tpu.memory_space<vmem>>[vector<16xi32>], vector<16xi32>,
          %sub3A_515 = vector.broadcast %reduce_min3A_15 : i32 to vector<16xi32>
          %sub3A_516 = arith.subi %unique3A_513, %sub3A_515 : vector<16xi32>
          %add3A_517 = arith.addi %gather3A_514, %sub3A_516 : vector<16xi32>
          %add3A_518 = arith.constant 1 : i32
          %add3A_519 = vector.broadcast %add3A_518 : i32 to vector<16xi32>
          %add3A_520 = arith.addi %add3A_517, %add3A_519 : vector<16xi32>
          tpu.vector_store_idx %arg15[%get3A_509], %add3A_520 masked %unique3A_512 : memref<32xi32, #tpu.memory_space<vmem>>[vector<16xi32>], vector<16xi32>, vector<16xi1>
          %mul3A_521 = arith.constant 16 : i32
          %mul3A_522 = arith.muli %scan3A_502, %mul3A_521 : i32
          %swap3A_523 = arith.index_cast %scan3A_476 : i32 to index
          %swap3A_524 = arith.index_cast %mul3A_522 : i32 to index
          %swap3A_525 = tpu.vector_load %arg13[%swap3A_523, %swap3A_524] {strides = array<i32>} : memref<25x80xi32, #tpu.memory_space<vmem>>, vector<16xi32>,
          tpu.vector_store %arg13[%swap3A_523, %swap3A_524], %add3A_517 {strides = array<i32>} : memref<25x80xi32, #tpu.memory_space<vmem>>, vector<16xi32>,
        }
        %scan3A_482 = arith.constant 5 : i32
        %mul3A_483 = arith.constant 80 : i32
        %mul3A_484 = arith.muli %scan3A_476, %mul3A_483 : i32
        %dma_start3A = tpu.memref_slice %arg10[%mul3A_484] : memref<2000xi32, #tpu.memory_space<vmem>> -> memref<80xi32, #tpu.memory_space<vmem>>
        %dma_start3A_485 = arith.constant 0 : i32
        %dma_start3A_486 = tpu.memref_slice %arg13[%scan3A_476, %dma_start3A_485] : memref<25x80xi32, #tpu.memory_space<vmem>> -> memref<1x80xi32, #tpu.memory_space<vmem>>
        %dma_start3A_487 = tpu.memref_squeeze %dma_start3A_486 : memref<1x80xi32, #tpu.memory_space<vmem>> -> memref<80xi32, #tpu.memory_space<vmem>>
        %dma_start3A_488 = arith.constant 0 : i32
        %dma_start3A_489 = tpu.memref_slice %arg20[%dma_start3A_488] : memref<326144xi32, #tpu.memory_space<vmem_shared>> -> memref<326144xi32, #tpu.memory_space<vmem_shared>>
        tpu.enqueue_indirect_dma source(%dma_start3A : memref<80xi32, #tpu.memory_space<vmem>>) target(%dma_start3A_489 : memref<326144xi32, #tpu.memory_space<vmem_shared>>) offsets(%dma_start3A_487 : memref<80xi32, #tpu.memory_space<vmem>>) semaphore(%arg31 : memref<!tpu.dma_semaphore, #tpu.memory_space<semaphore_mem>>)
        %dma_start3A_490 = tpu.memref_slice %arg11[%mul3A_484] : memref<2000xi32, #tpu.memory_space<vmem>> -> memref<80xi32, #tpu.memory_space<vmem>>
        %dma_start3A_491 = arith.constant 0 : i32
        %dma_start3A_492 = tpu.memref_slice %arg13[%scan3A_476, %dma_start3A_491] : memref<25x80xi32, #tpu.memory_space<vmem>> -> memref<1x80xi32, #tpu.memory_space<vmem>>
        %dma_start3A_493 = tpu.memref_squeeze %dma_start3A_492 : memref<1x80xi32, #tpu.memory_space<vmem>> -> memref<80xi32, #tpu.memory_space<vmem>>
        %dma_start3A_494 = arith.constant 0 : i32
        %dma_start3A_495 = tpu.memref_slice %arg21[%dma_start3A_494] : memref<326144xi32, #tpu.memory_space<vmem_shared>> -> memref<326144xi32, #tpu.memory_space<vmem_shared>>
        tpu.enqueue_indirect_dma source(%dma_start3A_490 : memref<80xi32, #tpu.memory_space<vmem>>) target(%dma_start3A_495 : memref<326144xi32, #tpu.memory_space<vmem_shared>>) offsets(%dma_start3A_493 : memref<80xi32, #tpu.memory_space<vmem>>) semaphore(%arg31 : memref<!tpu.dma_semaphore, #tpu.memory_space<semaphore_mem>>)
        %dma_start3A_496 = tpu.memref_slice %arg12[%mul3A_484] : memref<2000xf32, #tpu.memory_space<vmem>> -> memref<80xf32, #tpu.memory_space<vmem>>
        %dma_start3A_497 = arith.constant 0 : i32
        %dma_start3A_498 = tpu.memref_slice %arg13[%scan3A_476, %dma_start3A_497] : memref<25x80xi32, #tpu.memory_space<vmem>> -> memref<1x80xi32, #tpu.memory_space<vmem>>
        %dma_start3A_499 = tpu.memref_squeeze %dma_start3A_498 : memref<1x80xi32, #tpu.memory_space<vmem>> -> memref<80xi32, #tpu.memory_space<vmem>>
        %dma_start3A_500 = arith.constant 0 : i32
        %dma_start3A_501 = tpu.memref_slice %arg22[%dma_start3A_500] : memref<326144xf32, #tpu.memory_space<vmem_shared>> -> memref<326144xf32, #tpu.memory_space<vmem_shared>>
        tpu.enqueue_indirect_dma source(%dma_start3A_496 : memref<80xf32, #tpu.memory_space<vmem>>) target(%dma_start3A_501 : memref<326144xf32, #tpu.memory_space<vmem_shared>>) offsets(%dma_start3A_499 : memref<80xi32, #tpu.memory_space<vmem>>) semaphore(%arg31 : memref<!tpu.dma_semaphore, #tpu.memory_space<semaphore_mem>>)
      }
      %scan3A_469 = arith.constant 25 : i32
      %scan3A_470 = arith.constant 0 : i32
      %scan3A_471 = arith.constant 0 : i32
      %scan3A_472 = arith.constant 25 : i32
      %scan3A_473 = arith.addi %scan3A_471, %scan3A_472 : i32
      %scan3A_474 = arith.constant 1 : i32
      scf.for %scan3A_476 = %scan3A_471 to %scan3A_473 step %scan3A_474  : i32 {
        %mul3A_477 = arith.constant 80 : i32
        %mul3A_478 = arith.muli %scan3A_476, %mul3A_477 : i32
        %dma_wait3A = tpu.memref_slice %arg10[%mul3A_478] : memref<2000xi32, #tpu.memory_space<vmem>> -> memref<80xi32, #tpu.memory_space<vmem>>
        %dma_wait3A_479 = arith.constant 0 : i32
        %dma_wait3A_480 = tpu.memref_slice %arg13[%scan3A_476, %dma_wait3A_479] : memref<25x80xi32, #tpu.memory_space<vmem>> -> memref<1x80xi32, #tpu.memory_space<vmem>>
        %dma_wait3A_481 = tpu.memref_squeeze %dma_wait3A_480 : memref<1x80xi32, #tpu.memory_space<vmem>> -> memref<80xi32, #tpu.memory_space<vmem>>
        %dma_wait3A_482 = arith.constant 0 : i32
        %dma_wait3A_483 = tpu.memref_slice %arg20[%dma_wait3A_482] : memref<326144xi32, #tpu.memory_space<vmem_shared>> -> memref<326144xi32, #tpu.memory_space<vmem_shared>>
        tpu.wait_indirect_dma semaphore(%arg31 : memref<!tpu.dma_semaphore, #tpu.memory_space<semaphore_mem>>) src(%dma_wait3A : memref<80xi32, #tpu.memory_space<vmem>>) dst(%dma_wait3A_483 : memref<326144xi32, #tpu.memory_space<vmem_shared>>)
        %dma_wait3A_484 = tpu.memref_slice %arg11[%mul3A_478] : memref<2000xi32, #tpu.memory_space<vmem>> -> memref<80xi32, #tpu.memory_space<vmem>>
        %dma_wait3A_485 = arith.constant 0 : i32
        %dma_wait3A_486 = tpu.memref_slice %arg13[%scan3A_476, %dma_wait3A_485] : memref<25x80xi32, #tpu.memory_space<vmem>> -> memref<1x80xi32, #tpu.memory_space<vmem>>
        %dma_wait3A_487 = tpu.memref_squeeze %dma_wait3A_486 : memref<1x80xi32, #tpu.memory_space<vmem>> -> memref<80xi32, #tpu.memory_space<vmem>>
        %dma_wait3A_488 = arith.constant 0 : i32
        %dma_wait3A_489 = tpu.memref_slice %arg21[%dma_wait3A_488] : memref<326144xi32, #tpu.memory_space<vmem_shared>> -> memref<326144xi32, #tpu.memory_space<vmem_shared>>
        tpu.wait_indirect_dma semaphore(%arg31 : memref<!tpu.dma_semaphore, #tpu.memory_space<semaphore_mem>>) src(%dma_wait3A_484 : memref<80xi32, #tpu.memory_space<vmem>>) dst(%dma_wait3A_489 : memref<326144xi32, #tpu.memory_space<vmem_shared>>)
        %dma_wait3A_490 = tpu.memref_slice %arg12[%mul3A_478] : memref<2000xf32, #tpu.memory_space<vmem>> -> memref<80xf32, #tpu.memory_space<vmem>>
        %dma_wait3A_491 = arith.constant 0 : i32
        %dma_wait3A_492 = tpu.memref_slice %arg13[%scan3A_476, %dma_wait3A_491] : memref<25x80xi32, #tpu.memory_space<vmem>> -> memref<1x80xi32, #tpu.memory_space<vmem>>
        %dma_wait3A_493 = tpu.memref_squeeze %dma_wait3A_492 : memref<1x80xi32, #tpu.memory_space<vmem>> -> memref<80xi32, #tpu.memory_space<vmem>>
        %dma_wait3A_494 = arith.constant 0 : i32
        %dma_wait3A_495 = tpu.memref_slice %arg22[%dma_wait3A_494] : memref<326144xf32, #tpu.memory_space<vmem_shared>> -> memref<326144xf32, #tpu.memory_space<vmem_shared>>
        tpu.wait_indirect_dma semaphore(%arg31 : memref<!tpu.dma_semaphore, #tpu.memory_space<semaphore_mem>>) src(%dma_wait3A_490 : memref<80xf32, #tpu.memory_space<vmem>>) dst(%dma_wait3A_495 : memref<326144xf32, #tpu.memory_space<vmem_shared>>)
      }
      %scan3A_475 = arith.constant 25 : i32
    }
    %scan3A_321 = arith.constant 10 : i32
    %barrier3A_322 = arith.constant 0 : index
    tpu.barrier barrier_id(%barrier3A_322)
    "tpu.region"() ({
      %run_scoped3A = tpu.sem_alloc : memref<!tpu.dma_semaphore, #tpu.memory_space<semaphore_mem>>
      tpu.enqueue_dma source(%arg7 : memref<64x16xi32, #tpu.memory_space<hbm>>) target(%arg23 : memref<64x16xi32, #tpu.memory_space<vmem>>) target_semaphore(%run_scoped3A : memref<!tpu.dma_semaphore, #tpu.memory_space<semaphore_mem>>)
      tpu.wait_dma2 semaphore(%run_scoped3A : memref<!tpu.dma_semaphore, #tpu.memory_space<semaphore_mem>>) src(%arg7 : memref<64x16xi32, #tpu.memory_space<hbm>>) dst(%arg23 : memref<64x16xi32, #tpu.memory_space<vmem>>)
      tpu.yield
    }) : () -> ()
    %mul3A_323 = arith.constant 32 : i32
    %mul3A_324 = arith.muli %arg0, %mul3A_323 : i32
    %mul3A_325 = arith.constant 2 : i32
    %mul3A_326 = arith.muli %arg1, %mul3A_325 : i32
    %add3A_327 = arith.addi %mul3A_324, %mul3A_326 : i32
    %add3A_328 = arith.constant 0 : i32
    %add3A_329 = arith.addi %add3A_327, %add3A_328 : i32
    %get3A_330 = arith.index_cast %add3A_329 : i32 to index
    %get3A_331 = arith.constant 0 : index
    %get3A_332 = tpu.vector_load %arg23[%get3A_330, %get3A_331] {strides = array<i32>} : memref<64x16xi32, #tpu.memory_space<vmem>>, vector<16xi32>,
    %gather3A = tpu.vector_load_idx %arg16[%get3A_332] : memref<32xi32, #tpu.memory_space<vmem>>[vector<16xi32>], vector<16xi32>,
    %reduce_min3A_333 = arith.constant true
    %reduce_min3A_334 = vector.broadcast %reduce_min3A_333 : i1 to vector<16xi1>
    %reduce_min3A_335 = arith.constant -2147483648 : i32
    %reduce_min3A_336 = vector.broadcast %reduce_min3A_335 : i32 to vector<16xi32>
    %reduce_min3A_337 = arith.xori %gather3A, %reduce_min3A_336 : vector<16xi32>
    %reduce_min3A_338 = tpu.scan <min>, %reduce_min3A_337 masked %reduce_min3A_334 : vector<16xi32>, vector<16xi1> -> vector<16xi32>
    %reduce_min3A_339 = arith.xori %reduce_min3A_338, %reduce_min3A_336 : vector<16xi32>
    %reduce_min3A_340 = vector.extract %reduce_min3A_339[15] : i32 from vector<16xi32>
    %gather3A_341 = tpu.vector_load_idx %arg17[%get3A_332] : memref<32xi32, #tpu.memory_space<vmem>>[vector<16xi32>], vector<16xi32>,
    %reduce_min3A_342 = arith.constant true
    %reduce_min3A_343 = vector.broadcast %reduce_min3A_342 : i1 to vector<16xi1>
    %reduce_min3A_344 = arith.constant -2147483648 : i32
    %reduce_min3A_345 = vector.broadcast %reduce_min3A_344 : i32 to vector<16xi32>
    %reduce_min3A_346 = arith.xori %gather3A_341, %reduce_min3A_345 : vector<16xi32>
    %reduce_min3A_347 = tpu.scan <min>, %reduce_min3A_346 masked %reduce_min3A_343 : vector<16xi32>, vector<16xi1> -> vector<16xi32>
    %reduce_min3A_348 = arith.xori %reduce_min3A_347, %reduce_min3A_345 : vector<16xi32>
    %reduce_min3A_349 = vector.extract %reduce_min3A_348[15] : i32 from vector<16xi32>
    "tpu.region"() ({
      %run_scoped3A = tpu.sem_alloc : memref<!tpu.dma_semaphore, #tpu.memory_space<semaphore_mem>>
      %dma_start3A = arith.constant 0 : i32
      %dma_start3A_460 = tpu.memref_slice %arg2[%add3A_329, %dma_start3A] : memref<64x10000xf32, #tpu.memory_space<hbm>> -> memref<1x10000xf32, #tpu.memory_space<hbm>>
      %dma_start3A_461 = tpu.memref_squeeze %dma_start3A_460 : memref<1x10000xf32, #tpu.memory_space<hbm>> -> memref<10000xf32, #tpu.memory_space<hbm>>
      %dma_start3A_462 = arith.constant 0 : i32
      %dma_start3A_463 = tpu.memref_slice %arg2[%add3A_329, %dma_start3A_462] : memref<64x10000xf32, #tpu.memory_space<hbm>> -> memref<1x10000xf32, #tpu.memory_space<hbm>>
      %dma_start3A_464 = tpu.memref_squeeze %dma_start3A_463 : memref<1x10000xf32, #tpu.memory_space<hbm>> -> memref<10000xf32, #tpu.memory_space<hbm>>
      tpu.enqueue_dma source(%dma_start3A_464 : memref<10000xf32, #tpu.memory_space<hbm>>) target(%arg24 : memref<10000xf32, #tpu.memory_space<vmem>>) target_semaphore(%run_scoped3A : memref<!tpu.dma_semaphore, #tpu.memory_space<semaphore_mem>>)
      %dma_wait3A = arith.constant 0 : i32
      %dma_wait3A_465 = tpu.memref_slice %arg2[%add3A_329, %dma_wait3A] : memref<64x10000xf32, #tpu.memory_space<hbm>> -> memref<1x10000xf32, #tpu.memory_space<hbm>>
      %dma_wait3A_466 = tpu.memref_squeeze %dma_wait3A_465 : memref<1x10000xf32, #tpu.memory_space<hbm>> -> memref<10000xf32, #tpu.memory_space<hbm>>
      %dma_wait3A_467 = arith.constant 0 : i32
      %dma_wait3A_468 = tpu.memref_slice %arg2[%add3A_329, %dma_wait3A_467] : memref<64x10000xf32, #tpu.memory_space<hbm>> -> memref<1x10000xf32, #tpu.memory_space<hbm>>
      %dma_wait3A_469 = tpu.memref_squeeze %dma_wait3A_468 : memref<1x10000xf32, #tpu.memory_space<hbm>> -> memref<10000xf32, #tpu.memory_space<hbm>>
      tpu.wait_dma2 semaphore(%run_scoped3A : memref<!tpu.dma_semaphore, #tpu.memory_space<semaphore_mem>>) src(%dma_wait3A_469 : memref<10000xf32, #tpu.memory_space<hbm>>) dst(%arg24 : memref<10000xf32, #tpu.memory_space<vmem>>)
      tpu.yield
    }) : () -> ()
    %scan3A_350 = arith.constant 0 : i32
    %scan3A_351 = arith.constant 0 : i32
    %scan3A_352 = arith.constant 625 : i32
    %scan3A_353 = arith.addi %scan3A_351, %scan3A_352 : i32
    %scan3A_354 = arith.constant 1 : i32
    scf.for %scan3A_460 = %scan3A_351 to %scan3A_353 step %scan3A_354  : i32 {
      %mul3A_461 = arith.constant 16 : i32
      %mul3A_462 = arith.muli %scan3A_460, %mul3A_461 : i32
      %swap3A_463 = arith.index_cast %mul3A_462 : i32 to index
      %swap3A_464 = tpu.vector_load %arg25[%swap3A_463] {strides = array<i32>} : memref<10000xf32, #tpu.memory_space<vmem>>, vector<16xf32>,
      tpu.vector_store %arg25[%swap3A_463], %broadcast_in_dim3A_3 {strides = array<i32>} : memref<10000xf32, #tpu.memory_space<vmem>>, vector<16xf32>,
    }
    %scan3A_355 = arith.constant 625 : i32
    %add3A_356 = arith.constant 2048 : i32
    %add3A_357 = arith.addi %reduce_min3A_349, %add3A_356 : i32
    %sub3A_358 = arith.constant 1 : i32
    %sub3A_359 = arith.subi %add3A_357, %sub3A_358 : i32
    %jit3A = arith.constant 2048 : i32
    %div3A = arith.divsi %sub3A_359, %jit3A : i32
    %sign3A = arith.constant 0 : i32
    %sign3A_360 = arith.cmpi sgt, %sub3A_359, %sign3A : i32
    %sign3A_361 = arith.extui %sign3A_360 : i1 to i32
    %sign3A_362 = arith.constant 0 : i32
    %sign3A_363 = arith.cmpi slt, %sub3A_359, %sign3A_362 : i32
    %sign3A_364 = arith.extui %sign3A_363 : i1 to i32
    %sign3A_365 = arith.subi %sign3A_361, %sign3A_364 : i32
    %sign3A_366 = arith.constant 0 : i32
    %sign3A_367 = arith.cmpi sgt, %jit3A, %sign3A_366 : i32
    %sign3A_368 = arith.extui %sign3A_367 : i1 to i32
    %sign3A_369 = arith.constant 0 : i32
    %sign3A_370 = arith.cmpi slt, %jit3A, %sign3A_369 : i32
    %sign3A_371 = arith.extui %sign3A_370 : i1 to i32
    %sign3A_372 = arith.subi %sign3A_368, %sign3A_371 : i32
    %ne3A = arith.cmpi ne, %sign3A_365, %sign3A_372 : i32
    %rem3A = arith.remsi %sub3A_359, %jit3A : i32
    %ne3A_373 = arith.constant 0 : i32
    %ne3A_374 = arith.cmpi ne, %rem3A, %ne3A_373 : i32
    %and3A_375 = arith.andi %ne3A, %ne3A_374 : i1
    %sub3A_376 = arith.constant 1 : i32
    %sub3A_377 = arith.subi %div3A, %sub3A_376 : i32
    %select_n3A_378 = arith.select %and3A_375, %sub3A_377, %div3A : i32
    %while3A = arith.constant 0 : i32
    %while3A_379 = arith.constant 0 : i32
    %while3A_380 = arith.subi %select_n3A_378, %while3A_379 : i32
    %while3A_381 = arith.addi %while3A_379, %while3A_380 : i32
    %while3A_382 = arith.constant 1 : i32
    %while3A_383 = arith.divsi %while3A_380, %while3A_382 : i32
    %while3A_384 = arith.muli %while3A_383, %while3A_382 : i32
    %while3A_385 = arith.addi %while3A_379, %while3A_384 : i32
    %while3A_386 = arith.constant 1 : i32
    scf.for %while3A_460 = %while3A_379 to %while3A_385 step %while3A_386  : i32 {
      %mul3A_461 = arith.constant 2048 : i32
      %mul3A_462 = arith.muli %while3A_460, %mul3A_461 : i32
      %add3A_463 = arith.addi %reduce_min3A_340, %mul3A_462 : i32
      %multiple_of3A = tpu.assume_multiple %add3A_463, 128 : i32
      "tpu.region"() ({
        %run_scoped3A = tpu.sem_alloc : memref<!tpu.dma_semaphore, #tpu.memory_space<semaphore_mem>>
        %dma_start3A = tpu.memref_slice %arg20[%multiple_of3A] : memref<326144xi32, #tpu.memory_space<vmem_shared>> -> memref<2048xi32, #tpu.memory_space<vmem_shared>>
        %dma_start3A_488 = tpu.memref_slice %arg20[%multiple_of3A] : memref<326144xi32, #tpu.memory_space<vmem_shared>> -> memref<2048xi32, #tpu.memory_space<vmem_shared>>
        tpu.enqueue_dma source(%dma_start3A_488 : memref<2048xi32, #tpu.memory_space<vmem_shared>>) target(%arg26 : memref<2048xi32, #tpu.memory_space<vmem>>) target_semaphore(%run_scoped3A : memref<!tpu.dma_semaphore, #tpu.memory_space<semaphore_mem>>)
        %dma_wait3A = tpu.memref_slice %arg20[%multiple_of3A] : memref<326144xi32, #tpu.memory_space<vmem_shared>> -> memref<2048xi32, #tpu.memory_space<vmem_shared>>
        %dma_wait3A_489 = tpu.memref_slice %arg20[%multiple_of3A] : memref<326144xi32, #tpu.memory_space<vmem_shared>> -> memref<2048xi32, #tpu.memory_space<vmem_shared>>
        tpu.wait_dma2 semaphore(%run_scoped3A : memref<!tpu.dma_semaphore, #tpu.memory_space<semaphore_mem>>) src(%dma_wait3A_489 : memref<2048xi32, #tpu.memory_space<vmem_shared>>) dst(%arg26 : memref<2048xi32, #tpu.memory_space<vmem>>)
        tpu.yield
      }) : () -> ()
      "tpu.region"() ({
        %run_scoped3A = tpu.sem_alloc : memref<!tpu.dma_semaphore, #tpu.memory_space<semaphore_mem>>
        %dma_start3A = tpu.memref_slice %arg21[%multiple_of3A] : memref<326144xi32, #tpu.memory_space<vmem_shared>> -> memref<2048xi32, #tpu.memory_space<vmem_shared>>
        %dma_start3A_488 = tpu.memref_slice %arg21[%multiple_of3A] : memref<326144xi32, #tpu.memory_space<vmem_shared>> -> memref<2048xi32, #tpu.memory_space<vmem_shared>>
        tpu.enqueue_dma source(%dma_start3A_488 : memref<2048xi32, #tpu.memory_space<vmem_shared>>) target(%arg27 : memref<2048xi32, #tpu.memory_space<vmem>>) target_semaphore(%run_scoped3A : memref<!tpu.dma_semaphore, #tpu.memory_space<semaphore_mem>>)
        %dma_wait3A = tpu.memref_slice %arg21[%multiple_of3A] : memref<326144xi32, #tpu.memory_space<vmem_shared>> -> memref<2048xi32, #tpu.memory_space<vmem_shared>>
        %dma_wait3A_489 = tpu.memref_slice %arg21[%multiple_of3A] : memref<326144xi32, #tpu.memory_space<vmem_shared>> -> memref<2048xi32, #tpu.memory_space<vmem_shared>>
        tpu.wait_dma2 semaphore(%run_scoped3A : memref<!tpu.dma_semaphore, #tpu.memory_space<semaphore_mem>>) src(%dma_wait3A_489 : memref<2048xi32, #tpu.memory_space<vmem_shared>>) dst(%arg27 : memref<2048xi32, #tpu.memory_space<vmem>>)
        tpu.yield
      }) : () -> ()
      "tpu.region"() ({
        %run_scoped3A = tpu.sem_alloc : memref<!tpu.dma_semaphore, #tpu.memory_space<semaphore_mem>>
        %dma_start3A = tpu.memref_slice %arg22[%multiple_of3A] : memref<326144xf32, #tpu.memory_space<vmem_shared>> -> memref<2048xf32, #tpu.memory_space<vmem_shared>>
        %dma_start3A_488 = tpu.memref_slice %arg22[%multiple_of3A] : memref<326144xf32, #tpu.memory_space<vmem_shared>> -> memref<2048xf32, #tpu.memory_space<vmem_shared>>
        tpu.enqueue_dma source(%dma_start3A_488 : memref<2048xf32, #tpu.memory_space<vmem_shared>>) target(%arg28 : memref<2048xf32, #tpu.memory_space<vmem>>) target_semaphore(%run_scoped3A : memref<!tpu.dma_semaphore, #tpu.memory_space<semaphore_mem>>)
        %dma_wait3A = tpu.memref_slice %arg22[%multiple_of3A] : memref<326144xf32, #tpu.memory_space<vmem_shared>> -> memref<2048xf32, #tpu.memory_space<vmem_shared>>
        %dma_wait3A_489 = tpu.memref_slice %arg22[%multiple_of3A] : memref<326144xf32, #tpu.memory_space<vmem_shared>> -> memref<2048xf32, #tpu.memory_space<vmem_shared>>
        tpu.wait_dma2 semaphore(%run_scoped3A : memref<!tpu.dma_semaphore, #tpu.memory_space<semaphore_mem>>) src(%dma_wait3A_489 : memref<2048xf32, #tpu.memory_space<vmem_shared>>) dst(%arg28 : memref<2048xf32, #tpu.memory_space<vmem>>)
        tpu.yield
      }) : () -> ()
      %mul3A_464 = arith.constant 2048 : i32
      %mul3A_465 = arith.muli %while3A_460, %mul3A_464 : i32
      %sub3A_466 = arith.subi %reduce_min3A_349, %mul3A_465 : i32
      %scan3A_467 = arith.constant 0 : i32
      %scan3A_468 = arith.constant 0 : i32
      %scan3A_469 = arith.constant 128 : i32
      %scan3A_470 = arith.addi %scan3A_468, %scan3A_469 : i32
      %scan3A_471 = arith.constant 1 : i32
      scf.for %scan3A_488 = %scan3A_468 to %scan3A_470 step %scan3A_471  : i32 {
        %mul3A_489 = arith.constant 16 : i32
        %mul3A_490 = arith.muli %scan3A_488, %mul3A_489 : i32
        %mul3A_491 = arith.constant 16 : i32
        %mul3A_492 = arith.muli %scan3A_488, %mul3A_491 : i32
        %add3A_493 = vector.broadcast %mul3A_492 : i32 to vector<16xi32>
        %add3A_494 = arith.addi %add3A_493, %iota3A : vector<16xi32>
        %lt3A = vector.broadcast %sub3A_466 : i32 to vector<16xi32>
        %lt3A_495 = arith.cmpi slt, %add3A_494, %lt3A : vector<16xi32>
        %get3A_496 = arith.index_cast %mul3A_490 : i32 to index
        %get3A_497 = tpu.vector_load %arg26[%get3A_496] {strides = array<i32>} : memref<2048xi32, #tpu.memory_space<vmem>>, vector<16xi32>,
        %select_n3A_498 = arith.select %lt3A_495, %get3A_497, %broadcast_in_dim3A_1 : vector<16xi1>, vector<16xi32>
        %get3A_499 = arith.index_cast %mul3A_490 : i32 to index
        %get3A_500 = tpu.vector_load %arg27[%get3A_499] {strides = array<i32>} : memref<2048xi32, #tpu.memory_space<vmem>>, vector<16xi32>,
        %select_n3A_501 = arith.select %lt3A_495, %get3A_500, %broadcast_in_dim3A_1 : vector<16xi1>, vector<16xi32>
        %gather3A_502 = tpu.vector_load_idx %arg24[%select_n3A_498] : memref<10000xf32, #tpu.memory_space<vmem>>[vector<16xi32>], vector<16xf32>,
        %get3A_503 = arith.index_cast %mul3A_490 : i32 to index
        %get3A_504 = tpu.vector_load %arg28[%get3A_503] {strides = array<i32>} : memref<2048xf32, #tpu.memory_space<vmem>>, vector<16xf32>,
        %mul3A_505 = arith.mulf %gather3A_502, %get3A_504 : vector<16xf32>
        %swap3A_506 = arith.index_cast %mul3A_490 : i32 to index
        %swap3A_507 = tpu.vector_load %arg29[%swap3A_506] {strides = array<i32>} : memref<2048xf32, #tpu.memory_space<vmem>>, vector<16xf32>,
        tpu.vector_store %arg29[%swap3A_506], %mul3A_505 {strides = array<i32>} : memref<2048xf32, #tpu.memory_space<vmem>>, vector<16xf32>,
        %swap3A_508 = arith.index_cast %mul3A_490 : i32 to index
        %swap3A_509 = tpu.vector_load %arg30[%swap3A_508] {strides = array<i32>} : memref<2048xi32, #tpu.memory_space<vmem>>, vector<16xi32>,
        tpu.vector_store %arg30[%swap3A_508], %select_n3A_501 {strides = array<i32>} : memref<2048xi32, #tpu.memory_space<vmem>>, vector<16xi32>,
        %gather3A_510 = tpu.vector_load_idx %arg25[%select_n3A_501] : memref<10000xf32, #tpu.memory_space<vmem>>[vector<16xi32>], vector<16xf32>,
        %max3A = arith.maximumf %gather3A_510, %mul3A_505 : vector<16xf32>
        %gt3A_511 = arith.cmpf ogt, %max3A, %gather3A_510 : vector<16xf32>
        %and3A_512 = arith.andi %lt3A_495, %gt3A_511 : vector<16xi1>
        tpu.vector_store_idx %arg25[%select_n3A_501], %max3A masked %and3A_512 : memref<10000xf32, #tpu.memory_space<vmem>>[vector<16xi32>], vector<16xf32>, vector<16xi1>
      }
      %scan3A_472 = arith.constant 128 : i32
      %scan3A_473 = arith.constant 0 : i32
      %scan3A_474 = arith.constant 128 : i32
      %scan3A_475 = arith.addi %scan3A_473, %scan3A_474 : i32
      %scan3A_476 = arith.constant 1 : i32
      %scan3A_477 = scf.for %scan3A_488 = %scan3A_473 to %scan3A_475 step %scan3A_476 iter_args(%scan3A_489 = %broadcast_in_dim3A_1) -> (vector<16xi32>)  : i32 {
        %mul3A_490 = arith.constant 16 : i32
        %mul3A_491 = arith.muli %scan3A_488, %mul3A_490 : i32
        %mul3A_492 = arith.constant 16 : i32
        %mul3A_493 = arith.muli %scan3A_488, %mul3A_492 : i32
        %add3A_494 = vector.broadcast %mul3A_493 : i32 to vector<16xi32>
        %add3A_495 = arith.addi %add3A_494, %iota3A : vector<16xi32>
        %lt3A = vector.broadcast %sub3A_466 : i32 to vector<16xi32>
        %lt3A_496 = arith.cmpi slt, %add3A_495, %lt3A : vector<16xi32>
        %get3A_497 = arith.index_cast %mul3A_491 : i32 to index
        %get3A_498 = tpu.vector_load %arg30[%get3A_497] {strides = array<i32>} : memref<2048xi32, #tpu.memory_space<vmem>>, vector<16xi32>,
        %gather3A_499 = tpu.vector_load_idx %arg25[%get3A_498] : memref<10000xf32, #tpu.memory_space<vmem>>[vector<16xi32>], vector<16xf32>,
        %get3A_500 = arith.index_cast %mul3A_491 : i32 to index
        %get3A_501 = tpu.vector_load %arg29[%get3A_500] {strides = array<i32>} : memref<2048xf32, #tpu.memory_space<vmem>>, vector<16xf32>,
        %lt3A_502 = arith.cmpf olt, %gather3A_499, %get3A_501 : vector<16xf32>
        %and3A_503 = arith.andi %lt3A_496, %lt3A_502 : vector<16xi1>
        %convert_element_type3A = arith.extui %and3A_503 : vector<16xi1> to vector<16xi32>
        %or3A = arith.ori %scan3A_489, %convert_element_type3A : vector<16xi32>
        scf.yield %or3A : vector<16xi32>
      }
      %scan3A_478 = arith.constant 128 : i32
      %reduce_max3A_479 = arith.constant true
      %reduce_max3A_480 = vector.broadcast %reduce_max3A_479 : i1 to vector<16xi1>
      %reduce_max3A_481 = arith.constant -2147483648 : i32
      %reduce_max3A_482 = vector.broadcast %reduce_max3A_481 : i32 to vector<16xi32>
      %reduce_max3A_483 = arith.xori %scan3A_477, %reduce_max3A_482 : vector<16xi32>
      %reduce_max3A_484 = tpu.scan <max>, %reduce_max3A_483 masked %reduce_max3A_480 : vector<16xi32>, vector<16xi1> -> vector<16xi32>
      %reduce_max3A_485 = arith.xori %reduce_max3A_484, %reduce_max3A_482 : vector<16xi32>
      %reduce_max3A_486 = vector.extract %reduce_max3A_485[15] : i32 from vector<16xi32>
      %while3A_487 = scf.while (%while3A_488 = %reduce_max3A_486) : (i32) -> i32 {
        %gt3A_489 = arith.constant 0 : i32
        %gt3A_490 = arith.cmpi sgt, %while3A_488, %gt3A_489 : i32
        scf.condition(%gt3A_490) %while3A_488 : i32
      } do {
      ^bb0(%while3A_488: i32):
        %scan3A_489 = arith.constant 0 : i32
        %scan3A_490 = arith.constant 0 : i32
        %scan3A_491 = arith.constant 128 : i32
        %scan3A_492 = arith.addi %scan3A_490, %scan3A_491 : i32
        %scan3A_493 = arith.constant 1 : i32
        scf.for %scan3A_509 = %scan3A_490 to %scan3A_492 step %scan3A_493  : i32 {
          %mul3A_510 = arith.constant 16 : i32
          %mul3A_511 = arith.muli %scan3A_509, %mul3A_510 : i32
          %mul3A_512 = arith.constant 16 : i32
          %mul3A_513 = arith.muli %scan3A_509, %mul3A_512 : i32
          %add3A_514 = vector.broadcast %mul3A_513 : i32 to vector<16xi32>
          %add3A_515 = arith.addi %add3A_514, %iota3A : vector<16xi32>
          %lt3A = vector.broadcast %sub3A_466 : i32 to vector<16xi32>
          %lt3A_516 = arith.cmpi slt, %add3A_515, %lt3A : vector<16xi32>
          %get3A_517 = arith.index_cast %mul3A_511 : i32 to index
          %get3A_518 = tpu.vector_load %arg26[%get3A_517] {strides = array<i32>} : memref<2048xi32, #tpu.memory_space<vmem>>, vector<16xi32>,
          %select_n3A_519 = arith.select %lt3A_516, %get3A_518, %broadcast_in_dim3A_1 : vector<16xi1>, vector<16xi32>
          %get3A_520 = arith.index_cast %mul3A_511 : i32 to index
          %get3A_521 = tpu.vector_load %arg27[%get3A_520] {strides = array<i32>} : memref<2048xi32, #tpu.memory_space<vmem>>, vector<16xi32>,
          %select_n3A_522 = arith.select %lt3A_516, %get3A_521, %broadcast_in_dim3A_1 : vector<16xi1>, vector<16xi32>
          %gather3A_523 = tpu.vector_load_idx %arg24[%select_n3A_519] : memref<10000xf32, #tpu.memory_space<vmem>>[vector<16xi32>], vector<16xf32>,
          %get3A_524 = arith.index_cast %mul3A_511 : i32 to index
          %get3A_525 = tpu.vector_load %arg28[%get3A_524] {strides = array<i32>} : memref<2048xf32, #tpu.memory_space<vmem>>, vector<16xf32>,
          %mul3A_526 = arith.mulf %gather3A_523, %get3A_525 : vector<16xf32>
          %swap3A_527 = arith.index_cast %mul3A_511 : i32 to index
          %swap3A_528 = tpu.vector_load %arg29[%swap3A_527] {strides = array<i32>} : memref<2048xf32, #tpu.memory_space<vmem>>, vector<16xf32>,
          tpu.vector_store %arg29[%swap3A_527], %mul3A_526 {strides = array<i32>} : memref<2048xf32, #tpu.memory_space<vmem>>, vector<16xf32>,
          %swap3A_529 = arith.index_cast %mul3A_511 : i32 to index
          %swap3A_530 = tpu.vector_load %arg30[%swap3A_529] {strides = array<i32>} : memref<2048xi32, #tpu.memory_space<vmem>>, vector<16xi32>,
          tpu.vector_store %arg30[%swap3A_529], %select_n3A_522 {strides = array<i32>} : memref<2048xi32, #tpu.memory_space<vmem>>, vector<16xi32>,
          %gather3A_531 = tpu.vector_load_idx %arg25[%select_n3A_522] : memref<10000xf32, #tpu.memory_space<vmem>>[vector<16xi32>], vector<16xf32>,
          %max3A = arith.maximumf %gather3A_531, %mul3A_526 : vector<16xf32>
          %gt3A_532 = arith.cmpf ogt, %max3A, %gather3A_531 : vector<16xf32>
          %and3A_533 = arith.andi %lt3A_516, %gt3A_532 : vector<16xi1>
          tpu.vector_store_idx %arg25[%select_n3A_522], %max3A masked %and3A_533 : memref<10000xf32, #tpu.memory_space<vmem>>[vector<16xi32>], vector<16xf32>, vector<16xi1>
        }
        %scan3A_494 = arith.constant 128 : i32
        %scan3A_495 = arith.constant 0 : i32
        %scan3A_496 = arith.constant 128 : i32
        %scan3A_497 = arith.addi %scan3A_495, %scan3A_496 : i32
        %scan3A_498 = arith.constant 1 : i32
        %scan3A_499 = scf.for %scan3A_509 = %scan3A_495 to %scan3A_497 step %scan3A_498 iter_args(%scan3A_510 = %broadcast_in_dim3A_1) -> (vector<16xi32>)  : i32 {
          %mul3A_511 = arith.constant 16 : i32
          %mul3A_512 = arith.muli %scan3A_509, %mul3A_511 : i32
          %mul3A_513 = arith.constant 16 : i32
          %mul3A_514 = arith.muli %scan3A_509, %mul3A_513 : i32
          %add3A_515 = vector.broadcast %mul3A_514 : i32 to vector<16xi32>
          %add3A_516 = arith.addi %add3A_515, %iota3A : vector<16xi32>
          %lt3A = vector.broadcast %sub3A_466 : i32 to vector<16xi32>
          %lt3A_517 = arith.cmpi slt, %add3A_516, %lt3A : vector<16xi32>
          %get3A_518 = arith.index_cast %mul3A_512 : i32 to index
          %get3A_519 = tpu.vector_load %arg30[%get3A_518] {strides = array<i32>} : memref<2048xi32, #tpu.memory_space<vmem>>, vector<16xi32>,
          %gather3A_520 = tpu.vector_load_idx %arg25[%get3A_519] : memref<10000xf32, #tpu.memory_space<vmem>>[vector<16xi32>], vector<16xf32>,
          %get3A_521 = arith.index_cast %mul3A_512 : i32 to index
          %get3A_522 = tpu.vector_load %arg29[%get3A_521] {strides = array<i32>} : memref<2048xf32, #tpu.memory_space<vmem>>, vector<16xf32>,
          %lt3A_523 = arith.cmpf olt, %gather3A_520, %get3A_522 : vector<16xf32>
          %and3A_524 = arith.andi %lt3A_517, %lt3A_523 : vector<16xi1>
          %convert_element_type3A = arith.extui %and3A_524 : vector<16xi1> to vector<16xi32>
          %or3A = arith.ori %scan3A_510, %convert_element_type3A : vector<16xi32>
          scf.yield %or3A : vector<16xi32>
        }
        %scan3A_500 = arith.constant 128 : i32
        %reduce_max3A_501 = arith.constant true
        %reduce_max3A_502 = vector.broadcast %reduce_max3A_501 : i1 to vector<16xi1>
        %reduce_max3A_503 = arith.constant -2147483648 : i32
        %reduce_max3A_504 = vector.broadcast %reduce_max3A_503 : i32 to vector<16xi32>
        %reduce_max3A_505 = arith.xori %scan3A_499, %reduce_max3A_504 : vector<16xi32>
        %reduce_max3A_506 = tpu.scan <max>, %reduce_max3A_505 masked %reduce_max3A_502 : vector<16xi32>, vector<16xi1> -> vector<16xi32>
        %reduce_max3A_507 = arith.xori %reduce_max3A_506, %reduce_max3A_504 : vector<16xi32>
        %reduce_max3A_508 = vector.extract %reduce_max3A_507[15] : i32 from vector<16xi32>
        scf.yield %reduce_max3A_508 : i32
      }
    }
    %while3A_387 = arith.constant 1 : i32
    scf.for %while3A_460 = %while3A_385 to %while3A_381 step %while3A_387  : i32 {
      %mul3A_461 = arith.constant 2048 : i32
      %mul3A_462 = arith.muli %while3A_460, %mul3A_461 : i32
      %add3A_463 = arith.addi %reduce_min3A_340, %mul3A_462 : i32
      %multiple_of3A = tpu.assume_multiple %add3A_463, 128 : i32
      "tpu.region"() ({
        %run_scoped3A = tpu.sem_alloc : memref<!tpu.dma_semaphore, #tpu.memory_space<semaphore_mem>>
        %dma_start3A = tpu.memref_slice %arg20[%multiple_of3A] : memref<326144xi32, #tpu.memory_space<vmem_shared>> -> memref<2048xi32, #tpu.memory_space<vmem_shared>>
        %dma_start3A_488 = tpu.memref_slice %arg20[%multiple_of3A] : memref<326144xi32, #tpu.memory_space<vmem_shared>> -> memref<2048xi32, #tpu.memory_space<vmem_shared>>
        tpu.enqueue_dma source(%dma_start3A_488 : memref<2048xi32, #tpu.memory_space<vmem_shared>>) target(%arg26 : memref<2048xi32, #tpu.memory_space<vmem>>) target_semaphore(%run_scoped3A : memref<!tpu.dma_semaphore, #tpu.memory_space<semaphore_mem>>)
        %dma_wait3A = tpu.memref_slice %arg20[%multiple_of3A] : memref<326144xi32, #tpu.memory_space<vmem_shared>> -> memref<2048xi32, #tpu.memory_space<vmem_shared>>
        %dma_wait3A_489 = tpu.memref_slice %arg20[%multiple_of3A] : memref<326144xi32, #tpu.memory_space<vmem_shared>> -> memref<2048xi32, #tpu.memory_space<vmem_shared>>
        tpu.wait_dma2 semaphore(%run_scoped3A : memref<!tpu.dma_semaphore, #tpu.memory_space<semaphore_mem>>) src(%dma_wait3A_489 : memref<2048xi32, #tpu.memory_space<vmem_shared>>) dst(%arg26 : memref<2048xi32, #tpu.memory_space<vmem>>)
        tpu.yield
      }) : () -> ()
      "tpu.region"() ({
        %run_scoped3A = tpu.sem_alloc : memref<!tpu.dma_semaphore, #tpu.memory_space<semaphore_mem>>
        %dma_start3A = tpu.memref_slice %arg21[%multiple_of3A] : memref<326144xi32, #tpu.memory_space<vmem_shared>> -> memref<2048xi32, #tpu.memory_space<vmem_shared>>
        %dma_start3A_488 = tpu.memref_slice %arg21[%multiple_of3A] : memref<326144xi32, #tpu.memory_space<vmem_shared>> -> memref<2048xi32, #tpu.memory_space<vmem_shared>>
        tpu.enqueue_dma source(%dma_start3A_488 : memref<2048xi32, #tpu.memory_space<vmem_shared>>) target(%arg27 : memref<2048xi32, #tpu.memory_space<vmem>>) target_semaphore(%run_scoped3A : memref<!tpu.dma_semaphore, #tpu.memory_space<semaphore_mem>>)
        %dma_wait3A = tpu.memref_slice %arg21[%multiple_of3A] : memref<326144xi32, #tpu.memory_space<vmem_shared>> -> memref<2048xi32, #tpu.memory_space<vmem_shared>>
        %dma_wait3A_489 = tpu.memref_slice %arg21[%multiple_of3A] : memref<326144xi32, #tpu.memory_space<vmem_shared>> -> memref<2048xi32, #tpu.memory_space<vmem_shared>>
        tpu.wait_dma2 semaphore(%run_scoped3A : memref<!tpu.dma_semaphore, #tpu.memory_space<semaphore_mem>>) src(%dma_wait3A_489 : memref<2048xi32, #tpu.memory_space<vmem_shared>>) dst(%arg27 : memref<2048xi32, #tpu.memory_space<vmem>>)
        tpu.yield
      }) : () -> ()
      "tpu.region"() ({
        %run_scoped3A = tpu.sem_alloc : memref<!tpu.dma_semaphore, #tpu.memory_space<semaphore_mem>>
        %dma_start3A = tpu.memref_slice %arg22[%multiple_of3A] : memref<326144xf32, #tpu.memory_space<vmem_shared>> -> memref<2048xf32, #tpu.memory_space<vmem_shared>>
        %dma_start3A_488 = tpu.memref_slice %arg22[%multiple_of3A] : memref<326144xf32, #tpu.memory_space<vmem_shared>> -> memref<2048xf32, #tpu.memory_space<vmem_shared>>
        tpu.enqueue_dma source(%dma_start3A_488 : memref<2048xf32, #tpu.memory_space<vmem_shared>>) target(%arg28 : memref<2048xf32, #tpu.memory_space<vmem>>) target_semaphore(%run_scoped3A : memref<!tpu.dma_semaphore, #tpu.memory_space<semaphore_mem>>)
        %dma_wait3A = tpu.memref_slice %arg22[%multiple_of3A] : memref<326144xf32, #tpu.memory_space<vmem_shared>> -> memref<2048xf32, #tpu.memory_space<vmem_shared>>
        %dma_wait3A_489 = tpu.memref_slice %arg22[%multiple_of3A] : memref<326144xf32, #tpu.memory_space<vmem_shared>> -> memref<2048xf32, #tpu.memory_space<vmem_shared>>
        tpu.wait_dma2 semaphore(%run_scoped3A : memref<!tpu.dma_semaphore, #tpu.memory_space<semaphore_mem>>) src(%dma_wait3A_489 : memref<2048xf32, #tpu.memory_space<vmem_shared>>) dst(%arg28 : memref<2048xf32, #tpu.memory_space<vmem>>)
        tpu.yield
      }) : () -> ()
      %mul3A_464 = arith.constant 2048 : i32
      %mul3A_465 = arith.muli %while3A_460, %mul3A_464 : i32
      %sub3A_466 = arith.subi %reduce_min3A_349, %mul3A_465 : i32
      %scan3A_467 = arith.constant 0 : i32
      %scan3A_468 = arith.constant 0 : i32
      %scan3A_469 = arith.constant 128 : i32
      %scan3A_470 = arith.addi %scan3A_468, %scan3A_469 : i32
      %scan3A_471 = arith.constant 1 : i32
      scf.for %scan3A_488 = %scan3A_468 to %scan3A_470 step %scan3A_471  : i32 {
        %mul3A_489 = arith.constant 16 : i32
        %mul3A_490 = arith.muli %scan3A_488, %mul3A_489 : i32
        %mul3A_491 = arith.constant 16 : i32
        %mul3A_492 = arith.muli %scan3A_488, %mul3A_491 : i32
        %add3A_493 = vector.broadcast %mul3A_492 : i32 to vector<16xi32>
        %add3A_494 = arith.addi %add3A_493, %iota3A : vector<16xi32>
        %lt3A = vector.broadcast %sub3A_466 : i32 to vector<16xi32>
        %lt3A_495 = arith.cmpi slt, %add3A_494, %lt3A : vector<16xi32>
        %get3A_496 = arith.index_cast %mul3A_490 : i32 to index
        %get3A_497 = tpu.vector_load %arg26[%get3A_496] {strides = array<i32>} : memref<2048xi32, #tpu.memory_space<vmem>>, vector<16xi32>,
        %select_n3A_498 = arith.select %lt3A_495, %get3A_497, %broadcast_in_dim3A_1 : vector<16xi1>, vector<16xi32>
        %get3A_499 = arith.index_cast %mul3A_490 : i32 to index
        %get3A_500 = tpu.vector_load %arg27[%get3A_499] {strides = array<i32>} : memref<2048xi32, #tpu.memory_space<vmem>>, vector<16xi32>,
        %select_n3A_501 = arith.select %lt3A_495, %get3A_500, %broadcast_in_dim3A_1 : vector<16xi1>, vector<16xi32>
        %gather3A_502 = tpu.vector_load_idx %arg24[%select_n3A_498] : memref<10000xf32, #tpu.memory_space<vmem>>[vector<16xi32>], vector<16xf32>,
        %get3A_503 = arith.index_cast %mul3A_490 : i32 to index
        %get3A_504 = tpu.vector_load %arg28[%get3A_503] {strides = array<i32>} : memref<2048xf32, #tpu.memory_space<vmem>>, vector<16xf32>,
        %mul3A_505 = arith.mulf %gather3A_502, %get3A_504 : vector<16xf32>
        %swap3A_506 = arith.index_cast %mul3A_490 : i32 to index
        %swap3A_507 = tpu.vector_load %arg29[%swap3A_506] {strides = array<i32>} : memref<2048xf32, #tpu.memory_space<vmem>>, vector<16xf32>,
        tpu.vector_store %arg29[%swap3A_506], %mul3A_505 {strides = array<i32>} : memref<2048xf32, #tpu.memory_space<vmem>>, vector<16xf32>,
        %swap3A_508 = arith.index_cast %mul3A_490 : i32 to index
        %swap3A_509 = tpu.vector_load %arg30[%swap3A_508] {strides = array<i32>} : memref<2048xi32, #tpu.memory_space<vmem>>, vector<16xi32>,
        tpu.vector_store %arg30[%swap3A_508], %select_n3A_501 {strides = array<i32>} : memref<2048xi32, #tpu.memory_space<vmem>>, vector<16xi32>,
        %gather3A_510 = tpu.vector_load_idx %arg25[%select_n3A_501] : memref<10000xf32, #tpu.memory_space<vmem>>[vector<16xi32>], vector<16xf32>,
        %max3A = arith.maximumf %gather3A_510, %mul3A_505 : vector<16xf32>
        %gt3A_511 = arith.cmpf ogt, %max3A, %gather3A_510 : vector<16xf32>
        %and3A_512 = arith.andi %lt3A_495, %gt3A_511 : vector<16xi1>
        tpu.vector_store_idx %arg25[%select_n3A_501], %max3A masked %and3A_512 : memref<10000xf32, #tpu.memory_space<vmem>>[vector<16xi32>], vector<16xf32>, vector<16xi1>
      }
      %scan3A_472 = arith.constant 128 : i32
      %scan3A_473 = arith.constant 0 : i32
      %scan3A_474 = arith.constant 128 : i32
      %scan3A_475 = arith.addi %scan3A_473, %scan3A_474 : i32
      %scan3A_476 = arith.constant 1 : i32
      %scan3A_477 = scf.for %scan3A_488 = %scan3A_473 to %scan3A_475 step %scan3A_476 iter_args(%scan3A_489 = %broadcast_in_dim3A_1) -> (vector<16xi32>)  : i32 {
        %mul3A_490 = arith.constant 16 : i32
        %mul3A_491 = arith.muli %scan3A_488, %mul3A_490 : i32
        %mul3A_492 = arith.constant 16 : i32
        %mul3A_493 = arith.muli %scan3A_488, %mul3A_492 : i32
        %add3A_494 = vector.broadcast %mul3A_493 : i32 to vector<16xi32>
        %add3A_495 = arith.addi %add3A_494, %iota3A : vector<16xi32>
        %lt3A = vector.broadcast %sub3A_466 : i32 to vector<16xi32>
        %lt3A_496 = arith.cmpi slt, %add3A_495, %lt3A : vector<16xi32>
        %get3A_497 = arith.index_cast %mul3A_491 : i32 to index
        %get3A_498 = tpu.vector_load %arg30[%get3A_497] {strides = array<i32>} : memref<2048xi32, #tpu.memory_space<vmem>>, vector<16xi32>,
        %gather3A_499 = tpu.vector_load_idx %arg25[%get3A_498] : memref<10000xf32, #tpu.memory_space<vmem>>[vector<16xi32>], vector<16xf32>,
        %get3A_500 = arith.index_cast %mul3A_491 : i32 to index
        %get3A_501 = tpu.vector_load %arg29[%get3A_500] {strides = array<i32>} : memref<2048xf32, #tpu.memory_space<vmem>>, vector<16xf32>,
        %lt3A_502 = arith.cmpf olt, %gather3A_499, %get3A_501 : vector<16xf32>
        %and3A_503 = arith.andi %lt3A_496, %lt3A_502 : vector<16xi1>
        %convert_element_type3A = arith.extui %and3A_503 : vector<16xi1> to vector<16xi32>
        %or3A = arith.ori %scan3A_489, %convert_element_type3A : vector<16xi32>
        scf.yield %or3A : vector<16xi32>
      }
      %scan3A_478 = arith.constant 128 : i32
      %reduce_max3A_479 = arith.constant true
      %reduce_max3A_480 = vector.broadcast %reduce_max3A_479 : i1 to vector<16xi1>
      %reduce_max3A_481 = arith.constant -2147483648 : i32
      %reduce_max3A_482 = vector.broadcast %reduce_max3A_481 : i32 to vector<16xi32>
      %reduce_max3A_483 = arith.xori %scan3A_477, %reduce_max3A_482 : vector<16xi32>
      %reduce_max3A_484 = tpu.scan <max>, %reduce_max3A_483 masked %reduce_max3A_480 : vector<16xi32>, vector<16xi1> -> vector<16xi32>
      %reduce_max3A_485 = arith.xori %reduce_max3A_484, %reduce_max3A_482 : vector<16xi32>
      %reduce_max3A_486 = vector.extract %reduce_max3A_485[15] : i32 from vector<16xi32>
      %while3A_487 = scf.while (%while3A_488 = %reduce_max3A_486) : (i32) -> i32 {
        %gt3A_489 = arith.constant 0 : i32
        %gt3A_490 = arith.cmpi sgt, %while3A_488, %gt3A_489 : i32
        scf.condition(%gt3A_490) %while3A_488 : i32
      } do {
      ^bb0(%while3A_488: i32):
        %scan3A_489 = arith.constant 0 : i32
        %scan3A_490 = arith.constant 0 : i32
        %scan3A_491 = arith.constant 128 : i32
        %scan3A_492 = arith.addi %scan3A_490, %scan3A_491 : i32
        %scan3A_493 = arith.constant 1 : i32
        scf.for %scan3A_509 = %scan3A_490 to %scan3A_492 step %scan3A_493  : i32 {
          %mul3A_510 = arith.constant 16 : i32
          %mul3A_511 = arith.muli %scan3A_509, %mul3A_510 : i32
          %mul3A_512 = arith.constant 16 : i32
          %mul3A_513 = arith.muli %scan3A_509, %mul3A_512 : i32
          %add3A_514 = vector.broadcast %mul3A_513 : i32 to vector<16xi32>
          %add3A_515 = arith.addi %add3A_514, %iota3A : vector<16xi32>
          %lt3A = vector.broadcast %sub3A_466 : i32 to vector<16xi32>
          %lt3A_516 = arith.cmpi slt, %add3A_515, %lt3A : vector<16xi32>
          %get3A_517 = arith.index_cast %mul3A_511 : i32 to index
          %get3A_518 = tpu.vector_load %arg26[%get3A_517] {strides = array<i32>} : memref<2048xi32, #tpu.memory_space<vmem>>, vector<16xi32>,
          %select_n3A_519 = arith.select %lt3A_516, %get3A_518, %broadcast_in_dim3A_1 : vector<16xi1>, vector<16xi32>
          %get3A_520 = arith.index_cast %mul3A_511 : i32 to index
          %get3A_521 = tpu.vector_load %arg27[%get3A_520] {strides = array<i32>} : memref<2048xi32, #tpu.memory_space<vmem>>, vector<16xi32>,
          %select_n3A_522 = arith.select %lt3A_516, %get3A_521, %broadcast_in_dim3A_1 : vector<16xi1>, vector<16xi32>
          %gather3A_523 = tpu.vector_load_idx %arg24[%select_n3A_519] : memref<10000xf32, #tpu.memory_space<vmem>>[vector<16xi32>], vector<16xf32>,
          %get3A_524 = arith.index_cast %mul3A_511 : i32 to index
          %get3A_525 = tpu.vector_load %arg28[%get3A_524] {strides = array<i32>} : memref<2048xf32, #tpu.memory_space<vmem>>, vector<16xf32>,
          %mul3A_526 = arith.mulf %gather3A_523, %get3A_525 : vector<16xf32>
          %swap3A_527 = arith.index_cast %mul3A_511 : i32 to index
          %swap3A_528 = tpu.vector_load %arg29[%swap3A_527] {strides = array<i32>} : memref<2048xf32, #tpu.memory_space<vmem>>, vector<16xf32>,
          tpu.vector_store %arg29[%swap3A_527], %mul3A_526 {strides = array<i32>} : memref<2048xf32, #tpu.memory_space<vmem>>, vector<16xf32>,
          %swap3A_529 = arith.index_cast %mul3A_511 : i32 to index
          %swap3A_530 = tpu.vector_load %arg30[%swap3A_529] {strides = array<i32>} : memref<2048xi32, #tpu.memory_space<vmem>>, vector<16xi32>,
          tpu.vector_store %arg30[%swap3A_529], %select_n3A_522 {strides = array<i32>} : memref<2048xi32, #tpu.memory_space<vmem>>, vector<16xi32>,
          %gather3A_531 = tpu.vector_load_idx %arg25[%select_n3A_522] : memref<10000xf32, #tpu.memory_space<vmem>>[vector<16xi32>], vector<16xf32>,
          %max3A = arith.maximumf %gather3A_531, %mul3A_526 : vector<16xf32>
          %gt3A_532 = arith.cmpf ogt, %max3A, %gather3A_531 : vector<16xf32>
          %and3A_533 = arith.andi %lt3A_516, %gt3A_532 : vector<16xi1>
          tpu.vector_store_idx %arg25[%select_n3A_522], %max3A masked %and3A_533 : memref<10000xf32, #tpu.memory_space<vmem>>[vector<16xi32>], vector<16xf32>, vector<16xi1>
        }
        %scan3A_494 = arith.constant 128 : i32
        %scan3A_495 = arith.constant 0 : i32
        %scan3A_496 = arith.constant 128 : i32
        %scan3A_497 = arith.addi %scan3A_495, %scan3A_496 : i32
        %scan3A_498 = arith.constant 1 : i32
        %scan3A_499 = scf.for %scan3A_509 = %scan3A_495 to %scan3A_497 step %scan3A_498 iter_args(%scan3A_510 = %broadcast_in_dim3A_1) -> (vector<16xi32>)  : i32 {
          %mul3A_511 = arith.constant 16 : i32
          %mul3A_512 = arith.muli %scan3A_509, %mul3A_511 : i32
          %mul3A_513 = arith.constant 16 : i32
          %mul3A_514 = arith.muli %scan3A_509, %mul3A_513 : i32
          %add3A_515 = vector.broadcast %mul3A_514 : i32 to vector<16xi32>
          %add3A_516 = arith.addi %add3A_515, %iota3A : vector<16xi32>
          %lt3A = vector.broadcast %sub3A_466 : i32 to vector<16xi32>
          %lt3A_517 = arith.cmpi slt, %add3A_516, %lt3A : vector<16xi32>
          %get3A_518 = arith.index_cast %mul3A_512 : i32 to index
          %get3A_519 = tpu.vector_load %arg30[%get3A_518] {strides = array<i32>} : memref<2048xi32, #tpu.memory_space<vmem>>, vector<16xi32>,
          %gather3A_520 = tpu.vector_load_idx %arg25[%get3A_519] : memref<10000xf32, #tpu.memory_space<vmem>>[vector<16xi32>], vector<16xf32>,
          %get3A_521 = arith.index_cast %mul3A_512 : i32 to index
          %get3A_522 = tpu.vector_load %arg29[%get3A_521] {strides = array<i32>} : memref<2048xf32, #tpu.memory_space<vmem>>, vector<16xf32>,
          %lt3A_523 = arith.cmpf olt, %gather3A_520, %get3A_522 : vector<16xf32>
          %and3A_524 = arith.andi %lt3A_517, %lt3A_523 : vector<16xi1>
          %convert_element_type3A = arith.extui %and3A_524 : vector<16xi1> to vector<16xi32>
          %or3A = arith.ori %scan3A_510, %convert_element_type3A : vector<16xi32>
          scf.yield %or3A : vector<16xi32>
        }
        %scan3A_500 = arith.constant 128 : i32
        %reduce_max3A_501 = arith.constant true
        %reduce_max3A_502 = vector.broadcast %reduce_max3A_501 : i1 to vector<16xi1>
        %reduce_max3A_503 = arith.constant -2147483648 : i32
        %reduce_max3A_504 = vector.broadcast %reduce_max3A_503 : i32 to vector<16xi32>
        %reduce_max3A_505 = arith.xori %scan3A_499, %reduce_max3A_504 : vector<16xi32>
        %reduce_max3A_506 = tpu.scan <max>, %reduce_max3A_505 masked %reduce_max3A_502 : vector<16xi32>, vector<16xi1> -> vector<16xi32>
        %reduce_max3A_507 = arith.xori %reduce_max3A_506, %reduce_max3A_504 : vector<16xi32>
        %reduce_max3A_508 = vector.extract %reduce_max3A_507[15] : i32 from vector<16xi32>
        scf.yield %reduce_max3A_508 : i32
      }
    }
    "tpu.region"() ({
      %run_scoped3A = tpu.sem_alloc : memref<!tpu.dma_semaphore, #tpu.memory_space<semaphore_mem>>
      %dma_start3A = arith.constant 0 : i32
      %dma_start3A_460 = tpu.memref_slice %arg8[%add3A_329, %dma_start3A] : memref<64x10000xf32, #tpu.memory_space<hbm>> -> memref<1x10000xf32, #tpu.memory_space<hbm>>
      %dma_start3A_461 = tpu.memref_squeeze %dma_start3A_460 : memref<1x10000xf32, #tpu.memory_space<hbm>> -> memref<10000xf32, #tpu.memory_space<hbm>>
      %dma_start3A_462 = arith.constant 0 : i32
      %dma_start3A_463 = tpu.memref_slice %arg8[%add3A_329, %dma_start3A_462] : memref<64x10000xf32, #tpu.memory_space<hbm>> -> memref<1x10000xf32, #tpu.memory_space<hbm>>
      %dma_start3A_464 = tpu.memref_squeeze %dma_start3A_463 : memref<1x10000xf32, #tpu.memory_space<hbm>> -> memref<10000xf32, #tpu.memory_space<hbm>>
      tpu.enqueue_dma source(%arg25 : memref<10000xf32, #tpu.memory_space<vmem>>) target(%dma_start3A_464 : memref<10000xf32, #tpu.memory_space<hbm>>) target_semaphore(%run_scoped3A : memref<!tpu.dma_semaphore, #tpu.memory_space<semaphore_mem>>)
      %dma_wait3A = arith.constant 0 : i32
      %dma_wait3A_465 = tpu.memref_slice %arg8[%add3A_329, %dma_wait3A] : memref<64x10000xf32, #tpu.memory_space<hbm>> -> memref<1x10000xf32, #tpu.memory_space<hbm>>
      %dma_wait3A_466 = tpu.memref_squeeze %dma_wait3A_465 : memref<1x10000xf32, #tpu.memory_space<hbm>> -> memref<10000xf32, #tpu.memory_space<hbm>>
      %dma_wait3A_467 = arith.constant 0 : i32
      %dma_wait3A_468 = tpu.memref_slice %arg8[%add3A_329, %dma_wait3A_467] : memref<64x10000xf32, #tpu.memory_space<hbm>> -> memref<1x10000xf32, #tpu.memory_space<hbm>>
      %dma_wait3A_469 = tpu.memref_squeeze %dma_wait3A_468 : memref<1x10000xf32, #tpu.memory_space<hbm>> -> memref<10000xf32, #tpu.memory_space<hbm>>
      tpu.wait_dma2 semaphore(%run_scoped3A : memref<!tpu.dma_semaphore, #tpu.memory_space<semaphore_mem>>) src(%arg25 : memref<10000xf32, #tpu.memory_space<vmem>>) dst(%dma_wait3A_469 : memref<10000xf32, #tpu.memory_space<hbm>>)
      tpu.yield
    }) : () -> ()
    %mul3A_388 = arith.constant 32 : i32
    %mul3A_389 = arith.muli %arg0, %mul3A_388 : i32
    %mul3A_390 = arith.constant 2 : i32
    %mul3A_391 = arith.muli %arg1, %mul3A_390 : i32
    %add3A_392 = arith.addi %mul3A_389, %mul3A_391 : i32
    %add3A_393 = arith.constant 1 : i32
    %add3A_394 = arith.addi %add3A_392, %add3A_393 : i32
    %get3A_395 = arith.index_cast %add3A_394 : i32 to index
    %get3A_396 = arith.constant 0 : index
    %get3A_397 = tpu.vector_load %arg23[%get3A_395, %get3A_396] {strides = array<i32>} : memref<64x16xi32, #tpu.memory_space<vmem>>, vector<16xi32>,
    %gather3A_398 = tpu.vector_load_idx %arg16[%get3A_397] : memref<32xi32, #tpu.memory_space<vmem>>[vector<16xi32>], vector<16xi32>,
    %reduce_min3A_399 = arith.constant true
    %reduce_min3A_400 = vector.broadcast %reduce_min3A_399 : i1 to vector<16xi1>
    %reduce_min3A_401 = arith.constant -2147483648 : i32
    %reduce_min3A_402 = vector.broadcast %reduce_min3A_401 : i32 to vector<16xi32>
    %reduce_min3A_403 = arith.xori %gather3A_398, %reduce_min3A_402 : vector<16xi32>
    %reduce_min3A_404 = tpu.scan <min>, %reduce_min3A_403 masked %reduce_min3A_400 : vector<16xi32>, vector<16xi1> -> vector<16xi32>
    %reduce_min3A_405 = arith.xori %reduce_min3A_404, %reduce_min3A_402 : vector<16xi32>
    %reduce_min3A_406 = vector.extract %reduce_min3A_405[15] : i32 from vector<16xi32>
    %gather3A_407 = tpu.vector_load_idx %arg17[%get3A_397] : memref<32xi32, #tpu.memory_space<vmem>>[vector<16xi32>], vector<16xi32>,
    %reduce_min3A_408 = arith.constant true
    %reduce_min3A_409 = vector.broadcast %reduce_min3A_408 : i1 to vector<16xi1>
    %reduce_min3A_410 = arith.constant -2147483648 : i32
    %reduce_min3A_411 = vector.broadcast %reduce_min3A_410 : i32 to vector<16xi32>
    %reduce_min3A_412 = arith.xori %gather3A_407, %reduce_min3A_411 : vector<16xi32>
    %reduce_min3A_413 = tpu.scan <min>, %reduce_min3A_412 masked %reduce_min3A_409 : vector<16xi32>, vector<16xi1> -> vector<16xi32>
    %reduce_min3A_414 = arith.xori %reduce_min3A_413, %reduce_min3A_411 : vector<16xi32>
    %reduce_min3A_415 = vector.extract %reduce_min3A_414[15] : i32 from vector<16xi32>
    "tpu.region"() ({
      %run_scoped3A = tpu.sem_alloc : memref<!tpu.dma_semaphore, #tpu.memory_space<semaphore_mem>>
      %dma_start3A = arith.constant 0 : i32
      %dma_start3A_460 = tpu.memref_slice %arg2[%add3A_394, %dma_start3A] : memref<64x10000xf32, #tpu.memory_space<hbm>> -> memref<1x10000xf32, #tpu.memory_space<hbm>>
      %dma_start3A_461 = tpu.memref_squeeze %dma_start3A_460 : memref<1x10000xf32, #tpu.memory_space<hbm>> -> memref<10000xf32, #tpu.memory_space<hbm>>
      %dma_start3A_462 = arith.constant 0 : i32
      %dma_start3A_463 = tpu.memref_slice %arg2[%add3A_394, %dma_start3A_462] : memref<64x10000xf32, #tpu.memory_space<hbm>> -> memref<1x10000xf32, #tpu.memory_space<hbm>>
      %dma_start3A_464 = tpu.memref_squeeze %dma_start3A_463 : memref<1x10000xf32, #tpu.memory_space<hbm>> -> memref<10000xf32, #tpu.memory_space<hbm>>
      tpu.enqueue_dma source(%dma_start3A_464 : memref<10000xf32, #tpu.memory_space<hbm>>) target(%arg24 : memref<10000xf32, #tpu.memory_space<vmem>>) target_semaphore(%run_scoped3A : memref<!tpu.dma_semaphore, #tpu.memory_space<semaphore_mem>>)
      %dma_wait3A = arith.constant 0 : i32
      %dma_wait3A_465 = tpu.memref_slice %arg2[%add3A_394, %dma_wait3A] : memref<64x10000xf32, #tpu.memory_space<hbm>> -> memref<1x10000xf32, #tpu.memory_space<hbm>>
      %dma_wait3A_466 = tpu.memref_squeeze %dma_wait3A_465 : memref<1x10000xf32, #tpu.memory_space<hbm>> -> memref<10000xf32, #tpu.memory_space<hbm>>
      %dma_wait3A_467 = arith.constant 0 : i32
      %dma_wait3A_468 = tpu.memref_slice %arg2[%add3A_394, %dma_wait3A_467] : memref<64x10000xf32, #tpu.memory_space<hbm>> -> memref<1x10000xf32, #tpu.memory_space<hbm>>
      %dma_wait3A_469 = tpu.memref_squeeze %dma_wait3A_468 : memref<1x10000xf32, #tpu.memory_space<hbm>> -> memref<10000xf32, #tpu.memory_space<hbm>>
      tpu.wait_dma2 semaphore(%run_scoped3A : memref<!tpu.dma_semaphore, #tpu.memory_space<semaphore_mem>>) src(%dma_wait3A_469 : memref<10000xf32, #tpu.memory_space<hbm>>) dst(%arg24 : memref<10000xf32, #tpu.memory_space<vmem>>)
      tpu.yield
    }) : () -> ()
    %scan3A_416 = arith.constant 0 : i32
    %scan3A_417 = arith.constant 0 : i32
    %scan3A_418 = arith.constant 625 : i32
    %scan3A_419 = arith.addi %scan3A_417, %scan3A_418 : i32
    %scan3A_420 = arith.constant 1 : i32
    scf.for %scan3A_460 = %scan3A_417 to %scan3A_419 step %scan3A_420  : i32 {
      %mul3A_461 = arith.constant 16 : i32
      %mul3A_462 = arith.muli %scan3A_460, %mul3A_461 : i32
      %swap3A_463 = arith.index_cast %mul3A_462 : i32 to index
      %swap3A_464 = tpu.vector_load %arg25[%swap3A_463] {strides = array<i32>} : memref<10000xf32, #tpu.memory_space<vmem>>, vector<16xf32>,
      tpu.vector_store %arg25[%swap3A_463], %broadcast_in_dim3A_3 {strides = array<i32>} : memref<10000xf32, #tpu.memory_space<vmem>>, vector<16xf32>,
    }
    %scan3A_421 = arith.constant 625 : i32
    %add3A_422 = arith.constant 2048 : i32
    %add3A_423 = arith.addi %reduce_min3A_415, %add3A_422 : i32
    %sub3A_424 = arith.constant 1 : i32
    %sub3A_425 = arith.subi %add3A_423, %sub3A_424 : i32
    %jit3A_426 = arith.constant 2048 : i32
    %div3A_427 = arith.divsi %sub3A_425, %jit3A_426 : i32
    %sign3A_428 = arith.constant 0 : i32
    %sign3A_429 = arith.cmpi sgt, %sub3A_425, %sign3A_428 : i32
    %sign3A_430 = arith.extui %sign3A_429 : i1 to i32
    %sign3A_431 = arith.constant 0 : i32
    %sign3A_432 = arith.cmpi slt, %sub3A_425, %sign3A_431 : i32
    %sign3A_433 = arith.extui %sign3A_432 : i1 to i32
    %sign3A_434 = arith.subi %sign3A_430, %sign3A_433 : i32
    %sign3A_435 = arith.constant 0 : i32
    %sign3A_436 = arith.cmpi sgt, %jit3A_426, %sign3A_435 : i32
    %sign3A_437 = arith.extui %sign3A_436 : i1 to i32
    %sign3A_438 = arith.constant 0 : i32
    %sign3A_439 = arith.cmpi slt, %jit3A_426, %sign3A_438 : i32
    %sign3A_440 = arith.extui %sign3A_439 : i1 to i32
    %sign3A_441 = arith.subi %sign3A_437, %sign3A_440 : i32
    %ne3A_442 = arith.cmpi ne, %sign3A_434, %sign3A_441 : i32
    %rem3A_443 = arith.remsi %sub3A_425, %jit3A_426 : i32
    %ne3A_444 = arith.constant 0 : i32
    %ne3A_445 = arith.cmpi ne, %rem3A_443, %ne3A_444 : i32
    %and3A_446 = arith.andi %ne3A_442, %ne3A_445 : i1
    %sub3A_447 = arith.constant 1 : i32
    %sub3A_448 = arith.subi %div3A_427, %sub3A_447 : i32
    %select_n3A_449 = arith.select %and3A_446, %sub3A_448, %div3A_427 : i32
    %while3A_450 = arith.constant 0 : i32
    %while3A_451 = arith.constant 0 : i32
    %while3A_452 = arith.subi %select_n3A_449, %while3A_451 : i32
    %while3A_453 = arith.addi %while3A_451, %while3A_452 : i32
    %while3A_454 = arith.constant 1 : i32
    %while3A_455 = arith.divsi %while3A_452, %while3A_454 : i32
    %while3A_456 = arith.muli %while3A_455, %while3A_454 : i32
    %while3A_457 = arith.addi %while3A_451, %while3A_456 : i32
    %while3A_458 = arith.constant 1 : i32
    scf.for %while3A_460 = %while3A_451 to %while3A_457 step %while3A_458  : i32 {
      %mul3A_461 = arith.constant 2048 : i32
      %mul3A_462 = arith.muli %while3A_460, %mul3A_461 : i32
      %add3A_463 = arith.addi %reduce_min3A_406, %mul3A_462 : i32
      %multiple_of3A = tpu.assume_multiple %add3A_463, 128 : i32
      "tpu.region"() ({
        %run_scoped3A = tpu.sem_alloc : memref<!tpu.dma_semaphore, #tpu.memory_space<semaphore_mem>>
        %dma_start3A = tpu.memref_slice %arg20[%multiple_of3A] : memref<326144xi32, #tpu.memory_space<vmem_shared>> -> memref<2048xi32, #tpu.memory_space<vmem_shared>>
        %dma_start3A_488 = tpu.memref_slice %arg20[%multiple_of3A] : memref<326144xi32, #tpu.memory_space<vmem_shared>> -> memref<2048xi32, #tpu.memory_space<vmem_shared>>
        tpu.enqueue_dma source(%dma_start3A_488 : memref<2048xi32, #tpu.memory_space<vmem_shared>>) target(%arg26 : memref<2048xi32, #tpu.memory_space<vmem>>) target_semaphore(%run_scoped3A : memref<!tpu.dma_semaphore, #tpu.memory_space<semaphore_mem>>)
        %dma_wait3A = tpu.memref_slice %arg20[%multiple_of3A] : memref<326144xi32, #tpu.memory_space<vmem_shared>> -> memref<2048xi32, #tpu.memory_space<vmem_shared>>
        %dma_wait3A_489 = tpu.memref_slice %arg20[%multiple_of3A] : memref<326144xi32, #tpu.memory_space<vmem_shared>> -> memref<2048xi32, #tpu.memory_space<vmem_shared>>
        tpu.wait_dma2 semaphore(%run_scoped3A : memref<!tpu.dma_semaphore, #tpu.memory_space<semaphore_mem>>) src(%dma_wait3A_489 : memref<2048xi32, #tpu.memory_space<vmem_shared>>) dst(%arg26 : memref<2048xi32, #tpu.memory_space<vmem>>)
        tpu.yield
      }) : () -> ()
      "tpu.region"() ({
        %run_scoped3A = tpu.sem_alloc : memref<!tpu.dma_semaphore, #tpu.memory_space<semaphore_mem>>
        %dma_start3A = tpu.memref_slice %arg21[%multiple_of3A] : memref<326144xi32, #tpu.memory_space<vmem_shared>> -> memref<2048xi32, #tpu.memory_space<vmem_shared>>
        %dma_start3A_488 = tpu.memref_slice %arg21[%multiple_of3A] : memref<326144xi32, #tpu.memory_space<vmem_shared>> -> memref<2048xi32, #tpu.memory_space<vmem_shared>>
        tpu.enqueue_dma source(%dma_start3A_488 : memref<2048xi32, #tpu.memory_space<vmem_shared>>) target(%arg27 : memref<2048xi32, #tpu.memory_space<vmem>>) target_semaphore(%run_scoped3A : memref<!tpu.dma_semaphore, #tpu.memory_space<semaphore_mem>>)
        %dma_wait3A = tpu.memref_slice %arg21[%multiple_of3A] : memref<326144xi32, #tpu.memory_space<vmem_shared>> -> memref<2048xi32, #tpu.memory_space<vmem_shared>>
        %dma_wait3A_489 = tpu.memref_slice %arg21[%multiple_of3A] : memref<326144xi32, #tpu.memory_space<vmem_shared>> -> memref<2048xi32, #tpu.memory_space<vmem_shared>>
        tpu.wait_dma2 semaphore(%run_scoped3A : memref<!tpu.dma_semaphore, #tpu.memory_space<semaphore_mem>>) src(%dma_wait3A_489 : memref<2048xi32, #tpu.memory_space<vmem_shared>>) dst(%arg27 : memref<2048xi32, #tpu.memory_space<vmem>>)
        tpu.yield
      }) : () -> ()
      "tpu.region"() ({
        %run_scoped3A = tpu.sem_alloc : memref<!tpu.dma_semaphore, #tpu.memory_space<semaphore_mem>>
        %dma_start3A = tpu.memref_slice %arg22[%multiple_of3A] : memref<326144xf32, #tpu.memory_space<vmem_shared>> -> memref<2048xf32, #tpu.memory_space<vmem_shared>>
        %dma_start3A_488 = tpu.memref_slice %arg22[%multiple_of3A] : memref<326144xf32, #tpu.memory_space<vmem_shared>> -> memref<2048xf32, #tpu.memory_space<vmem_shared>>
        tpu.enqueue_dma source(%dma_start3A_488 : memref<2048xf32, #tpu.memory_space<vmem_shared>>) target(%arg28 : memref<2048xf32, #tpu.memory_space<vmem>>) target_semaphore(%run_scoped3A : memref<!tpu.dma_semaphore, #tpu.memory_space<semaphore_mem>>)
        %dma_wait3A = tpu.memref_slice %arg22[%multiple_of3A] : memref<326144xf32, #tpu.memory_space<vmem_shared>> -> memref<2048xf32, #tpu.memory_space<vmem_shared>>
        %dma_wait3A_489 = tpu.memref_slice %arg22[%multiple_of3A] : memref<326144xf32, #tpu.memory_space<vmem_shared>> -> memref<2048xf32, #tpu.memory_space<vmem_shared>>
        tpu.wait_dma2 semaphore(%run_scoped3A : memref<!tpu.dma_semaphore, #tpu.memory_space<semaphore_mem>>) src(%dma_wait3A_489 : memref<2048xf32, #tpu.memory_space<vmem_shared>>) dst(%arg28 : memref<2048xf32, #tpu.memory_space<vmem>>)
        tpu.yield
      }) : () -> ()
      %mul3A_464 = arith.constant 2048 : i32
      %mul3A_465 = arith.muli %while3A_460, %mul3A_464 : i32
      %sub3A_466 = arith.subi %reduce_min3A_415, %mul3A_465 : i32
      %scan3A_467 = arith.constant 0 : i32
      %scan3A_468 = arith.constant 0 : i32
      %scan3A_469 = arith.constant 128 : i32
      %scan3A_470 = arith.addi %scan3A_468, %scan3A_469 : i32
      %scan3A_471 = arith.constant 1 : i32
      scf.for %scan3A_488 = %scan3A_468 to %scan3A_470 step %scan3A_471  : i32 {
        %mul3A_489 = arith.constant 16 : i32
        %mul3A_490 = arith.muli %scan3A_488, %mul3A_489 : i32
        %mul3A_491 = arith.constant 16 : i32
        %mul3A_492 = arith.muli %scan3A_488, %mul3A_491 : i32
        %add3A_493 = vector.broadcast %mul3A_492 : i32 to vector<16xi32>
        %add3A_494 = arith.addi %add3A_493, %iota3A : vector<16xi32>
        %lt3A = vector.broadcast %sub3A_466 : i32 to vector<16xi32>
        %lt3A_495 = arith.cmpi slt, %add3A_494, %lt3A : vector<16xi32>
        %get3A_496 = arith.index_cast %mul3A_490 : i32 to index
        %get3A_497 = tpu.vector_load %arg26[%get3A_496] {strides = array<i32>} : memref<2048xi32, #tpu.memory_space<vmem>>, vector<16xi32>,
        %select_n3A_498 = arith.select %lt3A_495, %get3A_497, %broadcast_in_dim3A_1 : vector<16xi1>, vector<16xi32>
        %get3A_499 = arith.index_cast %mul3A_490 : i32 to index
        %get3A_500 = tpu.vector_load %arg27[%get3A_499] {strides = array<i32>} : memref<2048xi32, #tpu.memory_space<vmem>>, vector<16xi32>,
        %select_n3A_501 = arith.select %lt3A_495, %get3A_500, %broadcast_in_dim3A_1 : vector<16xi1>, vector<16xi32>
        %gather3A_502 = tpu.vector_load_idx %arg24[%select_n3A_498] : memref<10000xf32, #tpu.memory_space<vmem>>[vector<16xi32>], vector<16xf32>,
        %get3A_503 = arith.index_cast %mul3A_490 : i32 to index
        %get3A_504 = tpu.vector_load %arg28[%get3A_503] {strides = array<i32>} : memref<2048xf32, #tpu.memory_space<vmem>>, vector<16xf32>,
        %mul3A_505 = arith.mulf %gather3A_502, %get3A_504 : vector<16xf32>
        %swap3A_506 = arith.index_cast %mul3A_490 : i32 to index
        %swap3A_507 = tpu.vector_load %arg29[%swap3A_506] {strides = array<i32>} : memref<2048xf32, #tpu.memory_space<vmem>>, vector<16xf32>,
        tpu.vector_store %arg29[%swap3A_506], %mul3A_505 {strides = array<i32>} : memref<2048xf32, #tpu.memory_space<vmem>>, vector<16xf32>,
        %swap3A_508 = arith.index_cast %mul3A_490 : i32 to index
        %swap3A_509 = tpu.vector_load %arg30[%swap3A_508] {strides = array<i32>} : memref<2048xi32, #tpu.memory_space<vmem>>, vector<16xi32>,
        tpu.vector_store %arg30[%swap3A_508], %select_n3A_501 {strides = array<i32>} : memref<2048xi32, #tpu.memory_space<vmem>>, vector<16xi32>,
        %gather3A_510 = tpu.vector_load_idx %arg25[%select_n3A_501] : memref<10000xf32, #tpu.memory_space<vmem>>[vector<16xi32>], vector<16xf32>,
        %max3A = arith.maximumf %gather3A_510, %mul3A_505 : vector<16xf32>
        %gt3A_511 = arith.cmpf ogt, %max3A, %gather3A_510 : vector<16xf32>
        %and3A_512 = arith.andi %lt3A_495, %gt3A_511 : vector<16xi1>
        tpu.vector_store_idx %arg25[%select_n3A_501], %max3A masked %and3A_512 : memref<10000xf32, #tpu.memory_space<vmem>>[vector<16xi32>], vector<16xf32>, vector<16xi1>
      }
      %scan3A_472 = arith.constant 128 : i32
      %scan3A_473 = arith.constant 0 : i32
      %scan3A_474 = arith.constant 128 : i32
      %scan3A_475 = arith.addi %scan3A_473, %scan3A_474 : i32
      %scan3A_476 = arith.constant 1 : i32
      %scan3A_477 = scf.for %scan3A_488 = %scan3A_473 to %scan3A_475 step %scan3A_476 iter_args(%scan3A_489 = %broadcast_in_dim3A_1) -> (vector<16xi32>)  : i32 {
        %mul3A_490 = arith.constant 16 : i32
        %mul3A_491 = arith.muli %scan3A_488, %mul3A_490 : i32
        %mul3A_492 = arith.constant 16 : i32
        %mul3A_493 = arith.muli %scan3A_488, %mul3A_492 : i32
        %add3A_494 = vector.broadcast %mul3A_493 : i32 to vector<16xi32>
        %add3A_495 = arith.addi %add3A_494, %iota3A : vector<16xi32>
        %lt3A = vector.broadcast %sub3A_466 : i32 to vector<16xi32>
        %lt3A_496 = arith.cmpi slt, %add3A_495, %lt3A : vector<16xi32>
        %get3A_497 = arith.index_cast %mul3A_491 : i32 to index
        %get3A_498 = tpu.vector_load %arg30[%get3A_497] {strides = array<i32>} : memref<2048xi32, #tpu.memory_space<vmem>>, vector<16xi32>,
        %gather3A_499 = tpu.vector_load_idx %arg25[%get3A_498] : memref<10000xf32, #tpu.memory_space<vmem>>[vector<16xi32>], vector<16xf32>,
        %get3A_500 = arith.index_cast %mul3A_491 : i32 to index
        %get3A_501 = tpu.vector_load %arg29[%get3A_500] {strides = array<i32>} : memref<2048xf32, #tpu.memory_space<vmem>>, vector<16xf32>,
        %lt3A_502 = arith.cmpf olt, %gather3A_499, %get3A_501 : vector<16xf32>
        %and3A_503 = arith.andi %lt3A_496, %lt3A_502 : vector<16xi1>
        %convert_element_type3A = arith.extui %and3A_503 : vector<16xi1> to vector<16xi32>
        %or3A = arith.ori %scan3A_489, %convert_element_type3A : vector<16xi32>
        scf.yield %or3A : vector<16xi32>
      }
      %scan3A_478 = arith.constant 128 : i32
      %reduce_max3A_479 = arith.constant true
      %reduce_max3A_480 = vector.broadcast %reduce_max3A_479 : i1 to vector<16xi1>
      %reduce_max3A_481 = arith.constant -2147483648 : i32
      %reduce_max3A_482 = vector.broadcast %reduce_max3A_481 : i32 to vector<16xi32>
      %reduce_max3A_483 = arith.xori %scan3A_477, %reduce_max3A_482 : vector<16xi32>
      %reduce_max3A_484 = tpu.scan <max>, %reduce_max3A_483 masked %reduce_max3A_480 : vector<16xi32>, vector<16xi1> -> vector<16xi32>
      %reduce_max3A_485 = arith.xori %reduce_max3A_484, %reduce_max3A_482 : vector<16xi32>
      %reduce_max3A_486 = vector.extract %reduce_max3A_485[15] : i32 from vector<16xi32>
      %while3A_487 = scf.while (%while3A_488 = %reduce_max3A_486) : (i32) -> i32 {
        %gt3A_489 = arith.constant 0 : i32
        %gt3A_490 = arith.cmpi sgt, %while3A_488, %gt3A_489 : i32
        scf.condition(%gt3A_490) %while3A_488 : i32
      } do {
      ^bb0(%while3A_488: i32):
        %scan3A_489 = arith.constant 0 : i32
        %scan3A_490 = arith.constant 0 : i32
        %scan3A_491 = arith.constant 128 : i32
        %scan3A_492 = arith.addi %scan3A_490, %scan3A_491 : i32
        %scan3A_493 = arith.constant 1 : i32
        scf.for %scan3A_509 = %scan3A_490 to %scan3A_492 step %scan3A_493  : i32 {
          %mul3A_510 = arith.constant 16 : i32
          %mul3A_511 = arith.muli %scan3A_509, %mul3A_510 : i32
          %mul3A_512 = arith.constant 16 : i32
          %mul3A_513 = arith.muli %scan3A_509, %mul3A_512 : i32
          %add3A_514 = vector.broadcast %mul3A_513 : i32 to vector<16xi32>
          %add3A_515 = arith.addi %add3A_514, %iota3A : vector<16xi32>
          %lt3A = vector.broadcast %sub3A_466 : i32 to vector<16xi32>
          %lt3A_516 = arith.cmpi slt, %add3A_515, %lt3A : vector<16xi32>
          %get3A_517 = arith.index_cast %mul3A_511 : i32 to index
          %get3A_518 = tpu.vector_load %arg26[%get3A_517] {strides = array<i32>} : memref<2048xi32, #tpu.memory_space<vmem>>, vector<16xi32>,
          %select_n3A_519 = arith.select %lt3A_516, %get3A_518, %broadcast_in_dim3A_1 : vector<16xi1>, vector<16xi32>
          %get3A_520 = arith.index_cast %mul3A_511 : i32 to index
          %get3A_521 = tpu.vector_load %arg27[%get3A_520] {strides = array<i32>} : memref<2048xi32, #tpu.memory_space<vmem>>, vector<16xi32>,
          %select_n3A_522 = arith.select %lt3A_516, %get3A_521, %broadcast_in_dim3A_1 : vector<16xi1>, vector<16xi32>
          %gather3A_523 = tpu.vector_load_idx %arg24[%select_n3A_519] : memref<10000xf32, #tpu.memory_space<vmem>>[vector<16xi32>], vector<16xf32>,
          %get3A_524 = arith.index_cast %mul3A_511 : i32 to index
          %get3A_525 = tpu.vector_load %arg28[%get3A_524] {strides = array<i32>} : memref<2048xf32, #tpu.memory_space<vmem>>, vector<16xf32>,
          %mul3A_526 = arith.mulf %gather3A_523, %get3A_525 : vector<16xf32>
          %swap3A_527 = arith.index_cast %mul3A_511 : i32 to index
          %swap3A_528 = tpu.vector_load %arg29[%swap3A_527] {strides = array<i32>} : memref<2048xf32, #tpu.memory_space<vmem>>, vector<16xf32>,
          tpu.vector_store %arg29[%swap3A_527], %mul3A_526 {strides = array<i32>} : memref<2048xf32, #tpu.memory_space<vmem>>, vector<16xf32>,
          %swap3A_529 = arith.index_cast %mul3A_511 : i32 to index
          %swap3A_530 = tpu.vector_load %arg30[%swap3A_529] {strides = array<i32>} : memref<2048xi32, #tpu.memory_space<vmem>>, vector<16xi32>,
          tpu.vector_store %arg30[%swap3A_529], %select_n3A_522 {strides = array<i32>} : memref<2048xi32, #tpu.memory_space<vmem>>, vector<16xi32>,
          %gather3A_531 = tpu.vector_load_idx %arg25[%select_n3A_522] : memref<10000xf32, #tpu.memory_space<vmem>>[vector<16xi32>], vector<16xf32>,
          %max3A = arith.maximumf %gather3A_531, %mul3A_526 : vector<16xf32>
          %gt3A_532 = arith.cmpf ogt, %max3A, %gather3A_531 : vector<16xf32>
          %and3A_533 = arith.andi %lt3A_516, %gt3A_532 : vector<16xi1>
          tpu.vector_store_idx %arg25[%select_n3A_522], %max3A masked %and3A_533 : memref<10000xf32, #tpu.memory_space<vmem>>[vector<16xi32>], vector<16xf32>, vector<16xi1>
        }
        %scan3A_494 = arith.constant 128 : i32
        %scan3A_495 = arith.constant 0 : i32
        %scan3A_496 = arith.constant 128 : i32
        %scan3A_497 = arith.addi %scan3A_495, %scan3A_496 : i32
        %scan3A_498 = arith.constant 1 : i32
        %scan3A_499 = scf.for %scan3A_509 = %scan3A_495 to %scan3A_497 step %scan3A_498 iter_args(%scan3A_510 = %broadcast_in_dim3A_1) -> (vector<16xi32>)  : i32 {
          %mul3A_511 = arith.constant 16 : i32
          %mul3A_512 = arith.muli %scan3A_509, %mul3A_511 : i32
          %mul3A_513 = arith.constant 16 : i32
          %mul3A_514 = arith.muli %scan3A_509, %mul3A_513 : i32
          %add3A_515 = vector.broadcast %mul3A_514 : i32 to vector<16xi32>
          %add3A_516 = arith.addi %add3A_515, %iota3A : vector<16xi32>
          %lt3A = vector.broadcast %sub3A_466 : i32 to vector<16xi32>
          %lt3A_517 = arith.cmpi slt, %add3A_516, %lt3A : vector<16xi32>
          %get3A_518 = arith.index_cast %mul3A_512 : i32 to index
          %get3A_519 = tpu.vector_load %arg30[%get3A_518] {strides = array<i32>} : memref<2048xi32, #tpu.memory_space<vmem>>, vector<16xi32>,
          %gather3A_520 = tpu.vector_load_idx %arg25[%get3A_519] : memref<10000xf32, #tpu.memory_space<vmem>>[vector<16xi32>], vector<16xf32>,
          %get3A_521 = arith.index_cast %mul3A_512 : i32 to index
          %get3A_522 = tpu.vector_load %arg29[%get3A_521] {strides = array<i32>} : memref<2048xf32, #tpu.memory_space<vmem>>, vector<16xf32>,
          %lt3A_523 = arith.cmpf olt, %gather3A_520, %get3A_522 : vector<16xf32>
          %and3A_524 = arith.andi %lt3A_517, %lt3A_523 : vector<16xi1>
          %convert_element_type3A = arith.extui %and3A_524 : vector<16xi1> to vector<16xi32>
          %or3A = arith.ori %scan3A_510, %convert_element_type3A : vector<16xi32>
          scf.yield %or3A : vector<16xi32>
        }
        %scan3A_500 = arith.constant 128 : i32
        %reduce_max3A_501 = arith.constant true
        %reduce_max3A_502 = vector.broadcast %reduce_max3A_501 : i1 to vector<16xi1>
        %reduce_max3A_503 = arith.constant -2147483648 : i32
        %reduce_max3A_504 = vector.broadcast %reduce_max3A_503 : i32 to vector<16xi32>
        %reduce_max3A_505 = arith.xori %scan3A_499, %reduce_max3A_504 : vector<16xi32>
        %reduce_max3A_506 = tpu.scan <max>, %reduce_max3A_505 masked %reduce_max3A_502 : vector<16xi32>, vector<16xi1> -> vector<16xi32>
        %reduce_max3A_507 = arith.xori %reduce_max3A_506, %reduce_max3A_504 : vector<16xi32>
        %reduce_max3A_508 = vector.extract %reduce_max3A_507[15] : i32 from vector<16xi32>
        scf.yield %reduce_max3A_508 : i32
      }
    }
    %while3A_459 = arith.constant 1 : i32
    scf.for %while3A_460 = %while3A_457 to %while3A_453 step %while3A_459  : i32 {
      %mul3A_461 = arith.constant 2048 : i32
      %mul3A_462 = arith.muli %while3A_460, %mul3A_461 : i32
      %add3A_463 = arith.addi %reduce_min3A_406, %mul3A_462 : i32
      %multiple_of3A = tpu.assume_multiple %add3A_463, 128 : i32
      "tpu.region"() ({
        %run_scoped3A = tpu.sem_alloc : memref<!tpu.dma_semaphore, #tpu.memory_space<semaphore_mem>>
        %dma_start3A = tpu.memref_slice %arg20[%multiple_of3A] : memref<326144xi32, #tpu.memory_space<vmem_shared>> -> memref<2048xi32, #tpu.memory_space<vmem_shared>>
        %dma_start3A_488 = tpu.memref_slice %arg20[%multiple_of3A] : memref<326144xi32, #tpu.memory_space<vmem_shared>> -> memref<2048xi32, #tpu.memory_space<vmem_shared>>
        tpu.enqueue_dma source(%dma_start3A_488 : memref<2048xi32, #tpu.memory_space<vmem_shared>>) target(%arg26 : memref<2048xi32, #tpu.memory_space<vmem>>) target_semaphore(%run_scoped3A : memref<!tpu.dma_semaphore, #tpu.memory_space<semaphore_mem>>)
        %dma_wait3A = tpu.memref_slice %arg20[%multiple_of3A] : memref<326144xi32, #tpu.memory_space<vmem_shared>> -> memref<2048xi32, #tpu.memory_space<vmem_shared>>
        %dma_wait3A_489 = tpu.memref_slice %arg20[%multiple_of3A] : memref<326144xi32, #tpu.memory_space<vmem_shared>> -> memref<2048xi32, #tpu.memory_space<vmem_shared>>
        tpu.wait_dma2 semaphore(%run_scoped3A : memref<!tpu.dma_semaphore, #tpu.memory_space<semaphore_mem>>) src(%dma_wait3A_489 : memref<2048xi32, #tpu.memory_space<vmem_shared>>) dst(%arg26 : memref<2048xi32, #tpu.memory_space<vmem>>)
        tpu.yield
      }) : () -> ()
      "tpu.region"() ({
        %run_scoped3A = tpu.sem_alloc : memref<!tpu.dma_semaphore, #tpu.memory_space<semaphore_mem>>
        %dma_start3A = tpu.memref_slice %arg21[%multiple_of3A] : memref<326144xi32, #tpu.memory_space<vmem_shared>> -> memref<2048xi32, #tpu.memory_space<vmem_shared>>
        %dma_start3A_488 = tpu.memref_slice %arg21[%multiple_of3A] : memref<326144xi32, #tpu.memory_space<vmem_shared>> -> memref<2048xi32, #tpu.memory_space<vmem_shared>>
        tpu.enqueue_dma source(%dma_start3A_488 : memref<2048xi32, #tpu.memory_space<vmem_shared>>) target(%arg27 : memref<2048xi32, #tpu.memory_space<vmem>>) target_semaphore(%run_scoped3A : memref<!tpu.dma_semaphore, #tpu.memory_space<semaphore_mem>>)
        %dma_wait3A = tpu.memref_slice %arg21[%multiple_of3A] : memref<326144xi32, #tpu.memory_space<vmem_shared>> -> memref<2048xi32, #tpu.memory_space<vmem_shared>>
        %dma_wait3A_489 = tpu.memref_slice %arg21[%multiple_of3A] : memref<326144xi32, #tpu.memory_space<vmem_shared>> -> memref<2048xi32, #tpu.memory_space<vmem_shared>>
        tpu.wait_dma2 semaphore(%run_scoped3A : memref<!tpu.dma_semaphore, #tpu.memory_space<semaphore_mem>>) src(%dma_wait3A_489 : memref<2048xi32, #tpu.memory_space<vmem_shared>>) dst(%arg27 : memref<2048xi32, #tpu.memory_space<vmem>>)
        tpu.yield
      }) : () -> ()
      "tpu.region"() ({
        %run_scoped3A = tpu.sem_alloc : memref<!tpu.dma_semaphore, #tpu.memory_space<semaphore_mem>>
        %dma_start3A = tpu.memref_slice %arg22[%multiple_of3A] : memref<326144xf32, #tpu.memory_space<vmem_shared>> -> memref<2048xf32, #tpu.memory_space<vmem_shared>>
        %dma_start3A_488 = tpu.memref_slice %arg22[%multiple_of3A] : memref<326144xf32, #tpu.memory_space<vmem_shared>> -> memref<2048xf32, #tpu.memory_space<vmem_shared>>
        tpu.enqueue_dma source(%dma_start3A_488 : memref<2048xf32, #tpu.memory_space<vmem_shared>>) target(%arg28 : memref<2048xf32, #tpu.memory_space<vmem>>) target_semaphore(%run_scoped3A : memref<!tpu.dma_semaphore, #tpu.memory_space<semaphore_mem>>)
        %dma_wait3A = tpu.memref_slice %arg22[%multiple_of3A] : memref<326144xf32, #tpu.memory_space<vmem_shared>> -> memref<2048xf32, #tpu.memory_space<vmem_shared>>
        %dma_wait3A_489 = tpu.memref_slice %arg22[%multiple_of3A] : memref<326144xf32, #tpu.memory_space<vmem_shared>> -> memref<2048xf32, #tpu.memory_space<vmem_shared>>
        tpu.wait_dma2 semaphore(%run_scoped3A : memref<!tpu.dma_semaphore, #tpu.memory_space<semaphore_mem>>) src(%dma_wait3A_489 : memref<2048xf32, #tpu.memory_space<vmem_shared>>) dst(%arg28 : memref<2048xf32, #tpu.memory_space<vmem>>)
        tpu.yield
      }) : () -> ()
      %mul3A_464 = arith.constant 2048 : i32
      %mul3A_465 = arith.muli %while3A_460, %mul3A_464 : i32
      %sub3A_466 = arith.subi %reduce_min3A_415, %mul3A_465 : i32
      %scan3A_467 = arith.constant 0 : i32
      %scan3A_468 = arith.constant 0 : i32
      %scan3A_469 = arith.constant 128 : i32
      %scan3A_470 = arith.addi %scan3A_468, %scan3A_469 : i32
      %scan3A_471 = arith.constant 1 : i32
      scf.for %scan3A_488 = %scan3A_468 to %scan3A_470 step %scan3A_471  : i32 {
        %mul3A_489 = arith.constant 16 : i32
        %mul3A_490 = arith.muli %scan3A_488, %mul3A_489 : i32
        %mul3A_491 = arith.constant 16 : i32
        %mul3A_492 = arith.muli %scan3A_488, %mul3A_491 : i32
        %add3A_493 = vector.broadcast %mul3A_492 : i32 to vector<16xi32>
        %add3A_494 = arith.addi %add3A_493, %iota3A : vector<16xi32>
        %lt3A = vector.broadcast %sub3A_466 : i32 to vector<16xi32>
        %lt3A_495 = arith.cmpi slt, %add3A_494, %lt3A : vector<16xi32>
        %get3A_496 = arith.index_cast %mul3A_490 : i32 to index
        %get3A_497 = tpu.vector_load %arg26[%get3A_496] {strides = array<i32>} : memref<2048xi32, #tpu.memory_space<vmem>>, vector<16xi32>,
        %select_n3A_498 = arith.select %lt3A_495, %get3A_497, %broadcast_in_dim3A_1 : vector<16xi1>, vector<16xi32>
        %get3A_499 = arith.index_cast %mul3A_490 : i32 to index
        %get3A_500 = tpu.vector_load %arg27[%get3A_499] {strides = array<i32>} : memref<2048xi32, #tpu.memory_space<vmem>>, vector<16xi32>,
        %select_n3A_501 = arith.select %lt3A_495, %get3A_500, %broadcast_in_dim3A_1 : vector<16xi1>, vector<16xi32>
        %gather3A_502 = tpu.vector_load_idx %arg24[%select_n3A_498] : memref<10000xf32, #tpu.memory_space<vmem>>[vector<16xi32>], vector<16xf32>,
        %get3A_503 = arith.index_cast %mul3A_490 : i32 to index
        %get3A_504 = tpu.vector_load %arg28[%get3A_503] {strides = array<i32>} : memref<2048xf32, #tpu.memory_space<vmem>>, vector<16xf32>,
        %mul3A_505 = arith.mulf %gather3A_502, %get3A_504 : vector<16xf32>
        %swap3A_506 = arith.index_cast %mul3A_490 : i32 to index
        %swap3A_507 = tpu.vector_load %arg29[%swap3A_506] {strides = array<i32>} : memref<2048xf32, #tpu.memory_space<vmem>>, vector<16xf32>,
        tpu.vector_store %arg29[%swap3A_506], %mul3A_505 {strides = array<i32>} : memref<2048xf32, #tpu.memory_space<vmem>>, vector<16xf32>,
        %swap3A_508 = arith.index_cast %mul3A_490 : i32 to index
        %swap3A_509 = tpu.vector_load %arg30[%swap3A_508] {strides = array<i32>} : memref<2048xi32, #tpu.memory_space<vmem>>, vector<16xi32>,
        tpu.vector_store %arg30[%swap3A_508], %select_n3A_501 {strides = array<i32>} : memref<2048xi32, #tpu.memory_space<vmem>>, vector<16xi32>,
        %gather3A_510 = tpu.vector_load_idx %arg25[%select_n3A_501] : memref<10000xf32, #tpu.memory_space<vmem>>[vector<16xi32>], vector<16xf32>,
        %max3A = arith.maximumf %gather3A_510, %mul3A_505 : vector<16xf32>
        %gt3A_511 = arith.cmpf ogt, %max3A, %gather3A_510 : vector<16xf32>
        %and3A_512 = arith.andi %lt3A_495, %gt3A_511 : vector<16xi1>
        tpu.vector_store_idx %arg25[%select_n3A_501], %max3A masked %and3A_512 : memref<10000xf32, #tpu.memory_space<vmem>>[vector<16xi32>], vector<16xf32>, vector<16xi1>
      }
      %scan3A_472 = arith.constant 128 : i32
      %scan3A_473 = arith.constant 0 : i32
      %scan3A_474 = arith.constant 128 : i32
      %scan3A_475 = arith.addi %scan3A_473, %scan3A_474 : i32
      %scan3A_476 = arith.constant 1 : i32
      %scan3A_477 = scf.for %scan3A_488 = %scan3A_473 to %scan3A_475 step %scan3A_476 iter_args(%scan3A_489 = %broadcast_in_dim3A_1) -> (vector<16xi32>)  : i32 {
        %mul3A_490 = arith.constant 16 : i32
        %mul3A_491 = arith.muli %scan3A_488, %mul3A_490 : i32
        %mul3A_492 = arith.constant 16 : i32
        %mul3A_493 = arith.muli %scan3A_488, %mul3A_492 : i32
        %add3A_494 = vector.broadcast %mul3A_493 : i32 to vector<16xi32>
        %add3A_495 = arith.addi %add3A_494, %iota3A : vector<16xi32>
        %lt3A = vector.broadcast %sub3A_466 : i32 to vector<16xi32>
        %lt3A_496 = arith.cmpi slt, %add3A_495, %lt3A : vector<16xi32>
        %get3A_497 = arith.index_cast %mul3A_491 : i32 to index
        %get3A_498 = tpu.vector_load %arg30[%get3A_497] {strides = array<i32>} : memref<2048xi32, #tpu.memory_space<vmem>>, vector<16xi32>,
        %gather3A_499 = tpu.vector_load_idx %arg25[%get3A_498] : memref<10000xf32, #tpu.memory_space<vmem>>[vector<16xi32>], vector<16xf32>,
        %get3A_500 = arith.index_cast %mul3A_491 : i32 to index
        %get3A_501 = tpu.vector_load %arg29[%get3A_500] {strides = array<i32>} : memref<2048xf32, #tpu.memory_space<vmem>>, vector<16xf32>,
        %lt3A_502 = arith.cmpf olt, %gather3A_499, %get3A_501 : vector<16xf32>
        %and3A_503 = arith.andi %lt3A_496, %lt3A_502 : vector<16xi1>
        %convert_element_type3A = arith.extui %and3A_503 : vector<16xi1> to vector<16xi32>
        %or3A = arith.ori %scan3A_489, %convert_element_type3A : vector<16xi32>
        scf.yield %or3A : vector<16xi32>
      }
      %scan3A_478 = arith.constant 128 : i32
      %reduce_max3A_479 = arith.constant true
      %reduce_max3A_480 = vector.broadcast %reduce_max3A_479 : i1 to vector<16xi1>
      %reduce_max3A_481 = arith.constant -2147483648 : i32
      %reduce_max3A_482 = vector.broadcast %reduce_max3A_481 : i32 to vector<16xi32>
      %reduce_max3A_483 = arith.xori %scan3A_477, %reduce_max3A_482 : vector<16xi32>
      %reduce_max3A_484 = tpu.scan <max>, %reduce_max3A_483 masked %reduce_max3A_480 : vector<16xi32>, vector<16xi1> -> vector<16xi32>
      %reduce_max3A_485 = arith.xori %reduce_max3A_484, %reduce_max3A_482 : vector<16xi32>
      %reduce_max3A_486 = vector.extract %reduce_max3A_485[15] : i32 from vector<16xi32>
      %while3A_487 = scf.while (%while3A_488 = %reduce_max3A_486) : (i32) -> i32 {
        %gt3A_489 = arith.constant 0 : i32
        %gt3A_490 = arith.cmpi sgt, %while3A_488, %gt3A_489 : i32
        scf.condition(%gt3A_490) %while3A_488 : i32
      } do {
      ^bb0(%while3A_488: i32):
        %scan3A_489 = arith.constant 0 : i32
        %scan3A_490 = arith.constant 0 : i32
        %scan3A_491 = arith.constant 128 : i32
        %scan3A_492 = arith.addi %scan3A_490, %scan3A_491 : i32
        %scan3A_493 = arith.constant 1 : i32
        scf.for %scan3A_509 = %scan3A_490 to %scan3A_492 step %scan3A_493  : i32 {
          %mul3A_510 = arith.constant 16 : i32
          %mul3A_511 = arith.muli %scan3A_509, %mul3A_510 : i32
          %mul3A_512 = arith.constant 16 : i32
          %mul3A_513 = arith.muli %scan3A_509, %mul3A_512 : i32
          %add3A_514 = vector.broadcast %mul3A_513 : i32 to vector<16xi32>
          %add3A_515 = arith.addi %add3A_514, %iota3A : vector<16xi32>
          %lt3A = vector.broadcast %sub3A_466 : i32 to vector<16xi32>
          %lt3A_516 = arith.cmpi slt, %add3A_515, %lt3A : vector<16xi32>
          %get3A_517 = arith.index_cast %mul3A_511 : i32 to index
          %get3A_518 = tpu.vector_load %arg26[%get3A_517] {strides = array<i32>} : memref<2048xi32, #tpu.memory_space<vmem>>, vector<16xi32>,
          %select_n3A_519 = arith.select %lt3A_516, %get3A_518, %broadcast_in_dim3A_1 : vector<16xi1>, vector<16xi32>
          %get3A_520 = arith.index_cast %mul3A_511 : i32 to index
          %get3A_521 = tpu.vector_load %arg27[%get3A_520] {strides = array<i32>} : memref<2048xi32, #tpu.memory_space<vmem>>, vector<16xi32>,
          %select_n3A_522 = arith.select %lt3A_516, %get3A_521, %broadcast_in_dim3A_1 : vector<16xi1>, vector<16xi32>
          %gather3A_523 = tpu.vector_load_idx %arg24[%select_n3A_519] : memref<10000xf32, #tpu.memory_space<vmem>>[vector<16xi32>], vector<16xf32>,
          %get3A_524 = arith.index_cast %mul3A_511 : i32 to index
          %get3A_525 = tpu.vector_load %arg28[%get3A_524] {strides = array<i32>} : memref<2048xf32, #tpu.memory_space<vmem>>, vector<16xf32>,
          %mul3A_526 = arith.mulf %gather3A_523, %get3A_525 : vector<16xf32>
          %swap3A_527 = arith.index_cast %mul3A_511 : i32 to index
          %swap3A_528 = tpu.vector_load %arg29[%swap3A_527] {strides = array<i32>} : memref<2048xf32, #tpu.memory_space<vmem>>, vector<16xf32>,
          tpu.vector_store %arg29[%swap3A_527], %mul3A_526 {strides = array<i32>} : memref<2048xf32, #tpu.memory_space<vmem>>, vector<16xf32>,
          %swap3A_529 = arith.index_cast %mul3A_511 : i32 to index
          %swap3A_530 = tpu.vector_load %arg30[%swap3A_529] {strides = array<i32>} : memref<2048xi32, #tpu.memory_space<vmem>>, vector<16xi32>,
          tpu.vector_store %arg30[%swap3A_529], %select_n3A_522 {strides = array<i32>} : memref<2048xi32, #tpu.memory_space<vmem>>, vector<16xi32>,
          %gather3A_531 = tpu.vector_load_idx %arg25[%select_n3A_522] : memref<10000xf32, #tpu.memory_space<vmem>>[vector<16xi32>], vector<16xf32>,
          %max3A = arith.maximumf %gather3A_531, %mul3A_526 : vector<16xf32>
          %gt3A_532 = arith.cmpf ogt, %max3A, %gather3A_531 : vector<16xf32>
          %and3A_533 = arith.andi %lt3A_516, %gt3A_532 : vector<16xi1>
          tpu.vector_store_idx %arg25[%select_n3A_522], %max3A masked %and3A_533 : memref<10000xf32, #tpu.memory_space<vmem>>[vector<16xi32>], vector<16xf32>, vector<16xi1>
        }
        %scan3A_494 = arith.constant 128 : i32
        %scan3A_495 = arith.constant 0 : i32
        %scan3A_496 = arith.constant 128 : i32
        %scan3A_497 = arith.addi %scan3A_495, %scan3A_496 : i32
        %scan3A_498 = arith.constant 1 : i32
        %scan3A_499 = scf.for %scan3A_509 = %scan3A_495 to %scan3A_497 step %scan3A_498 iter_args(%scan3A_510 = %broadcast_in_dim3A_1) -> (vector<16xi32>)  : i32 {
          %mul3A_511 = arith.constant 16 : i32
          %mul3A_512 = arith.muli %scan3A_509, %mul3A_511 : i32
          %mul3A_513 = arith.constant 16 : i32
          %mul3A_514 = arith.muli %scan3A_509, %mul3A_513 : i32
          %add3A_515 = vector.broadcast %mul3A_514 : i32 to vector<16xi32>
          %add3A_516 = arith.addi %add3A_515, %iota3A : vector<16xi32>
          %lt3A = vector.broadcast %sub3A_466 : i32 to vector<16xi32>
          %lt3A_517 = arith.cmpi slt, %add3A_516, %lt3A : vector<16xi32>
          %get3A_518 = arith.index_cast %mul3A_512 : i32 to index
          %get3A_519 = tpu.vector_load %arg30[%get3A_518] {strides = array<i32>} : memref<2048xi32, #tpu.memory_space<vmem>>, vector<16xi32>,
          %gather3A_520 = tpu.vector_load_idx %arg25[%get3A_519] : memref<10000xf32, #tpu.memory_space<vmem>>[vector<16xi32>], vector<16xf32>,
          %get3A_521 = arith.index_cast %mul3A_512 : i32 to index
          %get3A_522 = tpu.vector_load %arg29[%get3A_521] {strides = array<i32>} : memref<2048xf32, #tpu.memory_space<vmem>>, vector<16xf32>,
          %lt3A_523 = arith.cmpf olt, %gather3A_520, %get3A_522 : vector<16xf32>
          %and3A_524 = arith.andi %lt3A_517, %lt3A_523 : vector<16xi1>
          %convert_element_type3A = arith.extui %and3A_524 : vector<16xi1> to vector<16xi32>
          %or3A = arith.ori %scan3A_510, %convert_element_type3A : vector<16xi32>
          scf.yield %or3A : vector<16xi32>
        }
        %scan3A_500 = arith.constant 128 : i32
        %reduce_max3A_501 = arith.constant true
        %reduce_max3A_502 = vector.broadcast %reduce_max3A_501 : i1 to vector<16xi1>
        %reduce_max3A_503 = arith.constant -2147483648 : i32
        %reduce_max3A_504 = vector.broadcast %reduce_max3A_503 : i32 to vector<16xi32>
        %reduce_max3A_505 = arith.xori %scan3A_499, %reduce_max3A_504 : vector<16xi32>
        %reduce_max3A_506 = tpu.scan <max>, %reduce_max3A_505 masked %reduce_max3A_502 : vector<16xi32>, vector<16xi1> -> vector<16xi32>
        %reduce_max3A_507 = arith.xori %reduce_max3A_506, %reduce_max3A_504 : vector<16xi32>
        %reduce_max3A_508 = vector.extract %reduce_max3A_507[15] : i32 from vector<16xi32>
        scf.yield %reduce_max3A_508 : i32
      }
    }
    "tpu.region"() ({
      %run_scoped3A = tpu.sem_alloc : memref<!tpu.dma_semaphore, #tpu.memory_space<semaphore_mem>>
      %dma_start3A = arith.constant 0 : i32
      %dma_start3A_460 = tpu.memref_slice %arg8[%add3A_394, %dma_start3A] : memref<64x10000xf32, #tpu.memory_space<hbm>> -> memref<1x10000xf32, #tpu.memory_space<hbm>>
      %dma_start3A_461 = tpu.memref_squeeze %dma_start3A_460 : memref<1x10000xf32, #tpu.memory_space<hbm>> -> memref<10000xf32, #tpu.memory_space<hbm>>
      %dma_start3A_462 = arith.constant 0 : i32
      %dma_start3A_463 = tpu.memref_slice %arg8[%add3A_394, %dma_start3A_462] : memref<64x10000xf32, #tpu.memory_space<hbm>> -> memref<1x10000xf32, #tpu.memory_space<hbm>>
      %dma_start3A_464 = tpu.memref_squeeze %dma_start3A_463 : memref<1x10000xf32, #tpu.memory_space<hbm>> -> memref<10000xf32, #tpu.memory_space<hbm>>
      tpu.enqueue_dma source(%arg25 : memref<10000xf32, #tpu.memory_space<vmem>>) target(%dma_start3A_464 : memref<10000xf32, #tpu.memory_space<hbm>>) target_semaphore(%run_scoped3A : memref<!tpu.dma_semaphore, #tpu.memory_space<semaphore_mem>>)
      %dma_wait3A = arith.constant 0 : i32
      %dma_wait3A_465 = tpu.memref_slice %arg8[%add3A_394, %dma_wait3A] : memref<64x10000xf32, #tpu.memory_space<hbm>> -> memref<1x10000xf32, #tpu.memory_space<hbm>>
      %dma_wait3A_466 = tpu.memref_squeeze %dma_wait3A_465 : memref<1x10000xf32, #tpu.memory_space<hbm>> -> memref<10000xf32, #tpu.memory_space<hbm>>
      %dma_wait3A_467 = arith.constant 0 : i32
      %dma_wait3A_468 = tpu.memref_slice %arg8[%add3A_394, %dma_wait3A_467] : memref<64x10000xf32, #tpu.memory_space<hbm>> -> memref<1x10000xf32, #tpu.memory_space<hbm>>
      %dma_wait3A_469 = tpu.memref_squeeze %dma_wait3A_468 : memref<1x10000xf32, #tpu.memory_space<hbm>> -> memref<10000xf32, #tpu.memory_space<hbm>>
      tpu.wait_dma2 semaphore(%run_scoped3A : memref<!tpu.dma_semaphore, #tpu.memory_space<semaphore_mem>>) src(%arg25 : memref<10000xf32, #tpu.memory_space<vmem>>) dst(%dma_wait3A_469 : memref<10000xf32, #tpu.memory_space<hbm>>)
      tpu.yield
    }) : () -> ()
    return
  }
}

</mosaic_0001>

<sc_bundles>
// kernel: kernel.3.cloned.1.call-start
scs
__scs_entry_jumppad:
0x0: {  	(pc) =	sbr.rel $0x88, $3  }
0x1: {  	(tag) =	ssettag $0x0;
	lr =	simm.s32 $0x1  }
0x2: {  	[smem:$0x3F99] =	sst lr;
	_ =	strace $0xD0000000  }
0x3: {  	_ = 	snop  }
0x4: {  	_ = 	snop  }
0x5: {  	_ = 	snop  }
0x6: {  	_ = 	snop  }
0x7: {  	_ = 	snop  }
__scs_overlays_trampoline_lowered:
0x8: {  	[smem:$0x3FA8] =	sst s0  }
0x9: {  	[smem:$0x3FA9] =	sst s1  }
0xa: {  	[smem:$0x3FAA] =	sst s2  }
0xb: {  	[smem:$0x3FAB] =	sst s3  }
0xc: {  	[smem:$0x3FAC] =	sst s4  }
0xd: {  	[smem:$0x3FAD] =	sst s5  }
0xe: {  	[smem:$0x3FAE] =	sst s6  }
0xf: {  	[smem:$0x3FAF] =	sst s7  }
0x10: {  	[smem:$0x3FB0] =	sst s8  }
0x11: {  	[smem:$0x3FB1] =	sst s9;
	s0 =	simm.s32 @!p0 $0x0  }
0x12: {  	s1 =	sld [smem:$0x3F97];
	s0 =	simm.s32 @p0 $0x1  }
0x13: {  	[smem:$0x3FB2] =	sst s0;
	s0 =	simm.s32 @!p1 $0x0  }
0x14: {  	s2 =	sld [smem:$0x3F96];
	s0 =	simm.s32 @p1 $0x1  }
0x15: {  	[smem:$0x3FB3] =	sst s0;
	s0 =	simm.s32 @!p2 $0x0  }
0x16: {  	s3 =	sld [smem:$0x3FDB];
	s0 =	simm.s32 @p2 $0x1  }
0x17: {  	s4 =	simm.s32 $0x1BF5;
	[smem:$0x3FB5] =	sst s0  }
0x18: {  	s0 =	sld [smem:$0x3F98];
	_ =	swait.ge [sflag:s4], $0x0  }
0x19: {  	s7 =	sld [smem:$0x3F99]  }
0x1a: {  	s8 =	sadd.s32 $0xFFFFE003, lr  }
0x1b: {  	s9 =	sadd.s32 $0xFFFFFEF7, lr;
	s5 =	simm.s32 $0xFFFFFFFF;
	p2 =	slt.u32 s8, $0xFFFFF086  }
0x1c: {  	p1 =	slt.u32 s9, $0xF7A;
	s5 =	simm.s32 @!p2 $0x0  }
0x1d: {  	s5 =	simm.s32 @p1 $0x1;
	p0 =	seq.s32 s7, s2  }
0x1e: {  	s7 =	smul.u32 @!p0 $0xF7A, s2;
	p2 =	seq.s32 @!p0 s5, $0x0  }
0x1f: {  	s9 =	smul.u32 $0xF7A, s1;
	s8 =	simm.s32 @!p0 $0x1BF5;
	p2 =	por !p2, p0  }
0x20: {  	[sflag:s8] =	ssyncset.s32 @!p0 $0xFFFFF086;
	s6 =	sadd.s32 @!p0 s3, s7;
	s7 =	simm.s32 @!p0 $0x108  }
0x21: {  	s3 =	sadd.s32 s3, s9;
	s6 =	sadd.s32 @!p0 $0x88, s6;
	s7 =	simm.s32 @p2 $0x1082  }
0x22: {  	[simem:s7], [sflag:s8] =	dma.local @!p0 [hbm:s6], $0xF7A  }
0x23: {  	s9 =	sor.u32 $0xD0000000, s2;
	s6 =	simm.s32 $0x108;
	_ =	swait.ge @!p0 [sflag:s8], $0x0  }
0x24: {  	s3 =	sadd.s32 $0x88, s3;
	s6 =	simm.s32 @!p1 $0x1082;
	[sflag:s4] =	ssyncset.s32 $0xFFFFF086  }
0x25: {  	[simem:s6], [sflag:s4] =	dma.local [hbm:s3], $0xF7A  }
0x26: {  	[smem:$0x3F99] =	sst s1;
	(tag) =	ssettag s2;
	_ =	strace s9  }
0x27: {  	s1 =	sld [smem:$0x3FA9]  }
0x28: {  	s2 =	sld [smem:$0x3FAA]  }
0x29: {  	s4 =	sld [smem:$0x3FAC]  }
0x2a: {  	p0 =	seq.s32 s5, $0x0;
	s5 =	sld [smem:$0x3FAD]  }
0x2b: {  	s6 =	sld [smem:$0x3FAE]  }
0x2c: {  	s7 =	sld [smem:$0x3FAF]  }
0x2d: {  	s3 =	simm.s32 $0x108;
	s8 =	sld [smem:$0x3FB0]  }
0x2e: {  	s3 =	simm.s32 @!p0 $0x1082;
	s9 =	sld [smem:$0x3FB1]  }
0x2f: {  	lr =	sadd.s32 s0, s3;
	s0 =	sld [smem:$0x3FA8]  }
0x30: {  	s3 =	sld [smem:$0x3FAB]  }
0x31: {  	[smem:$0x3FB4] =	sst s10  }
0x32: {  	s10 =	sld [smem:$0x3FB2];
	_ =	sdelay $0x3  }
0x33: {  	p0 =	seq.s32 s10, $0x1;
	s10 =	sld [smem:$0x3FB4];
	_ =	sdelay $0x3  }
0x34: {  	[smem:$0x3FB4] =	sst s10  }
0x35: {  	s10 =	sld [smem:$0x3FB3];
	_ =	sdelay $0x3  }
0x36: {  	p1 =	seq.s32 s10, $0x1;
	s10 =	sld [smem:$0x3FB4];
	_ =	sdelay $0x3  }
0x37: {  	[smem:$0x3FB4] =	sst s10  }
0x38: {  	s10 =	sld [smem:$0x3FB5]  }
0x39: {  	_ = 	snop;
	(pc) =	sbr.ind lr, $3  }
0x3a: {  	_ = 	snop  }
0x3b: {  	_ = 	snop  }
0x3c: {  	p2 =	seq.s32 s10, $0x1;
	s10 =	sld [smem:$0x3FB4]  }
0x3d: {  	_ =	shalt  }
0x3e: {  	_ =	shalt  }
0x3f: {  	_ =	shalt  }
0x40: {  	_ =	shalt  }
0x41: {  	_ =	shalt  }
0x42: {  	_ =	shalt  }
0x43: {  	_ =	shalt  }
0x44: {  	_ =	shalt  }
0x45: {  	_ =	shalt  }
0x46: {  	_ =	shalt  }
0x47: {  	_ =	shalt  }
0x48: {  	_ =	shalt  }
0x49: {  	_ =	shalt  }
0x4a: {  	_ =	shalt  }
0x4b: {  	_ =	shalt  }
0x4c: {  	_ =	shalt  }
0x4d: {  	_ =	shalt  }
0x4e: {  	_ =	shalt  }
0x4f: {  	_ =	shalt  }
0x50: {  	_ =	shalt  }
0x51: {  	_ =	shalt  }
0x52: {  	_ =	shalt  }
0x53: {  	_ =	shalt  }
0x54: {  	_ =	shalt  }
0x55: {  	_ =	shalt  }
0x56: {  	_ =	shalt  }
0x57: {  	_ =	shalt  }
0x58: {  	_ =	shalt  }
0x59: {  	_ =	shalt  }
0x5a: {  	_ =	shalt  }
0x5b: {  	_ =	shalt  }
0x5c: {  	_ =	shalt  }
0x5d: {  	_ =	shalt  }
0x5e: {  	_ =	shalt  }
0x5f: {  	_ =	shalt  }
0x60: {  	_ =	shalt  }
0x61: {  	_ =	shalt  }
0x62: {  	_ =	shalt  }
0x63: {  	_ =	shalt  }
0x64: {  	_ =	shalt  }
0x65: {  	_ =	shalt  }
0x66: {  	_ =	shalt  }
0x67: {  	_ =	shalt  }
0x68: {  	_ =	shalt  }
0x69: {  	_ =	shalt  }
0x6a: {  	_ =	shalt  }
0x6b: {  	_ =	shalt  }
0x6c: {  	_ =	shalt  }
0x6d: {  	_ =	shalt  }
0x6e: {  	_ =	shalt  }
0x6f: {  	_ =	shalt  }
0x70: {  	_ =	shalt  }
0x71: {  	_ =	shalt  }
0x72: {  	_ =	shalt  }
0x73: {  	_ =	shalt  }
0x74: {  	_ =	shalt  }
0x75: {  	_ =	shalt  }
0x76: {  	_ =	shalt  }
0x77: {  	_ =	shalt  }
0x78: {  	_ =	shalt  }
0x79: {  	_ =	shalt  }
0x7a: {  	_ =	shalt  }
0x7b: {  	_ =	shalt  }
0x7c: {  	_ =	shalt  }
0x7d: {  	_ =	shalt  }
0x7e: {  	_ =	shalt  }
0x7f: {  	_ =	shalt  }
0x80: {  	_ =	shalt  }
0x81: {  	_ =	shalt  }
0x82: {  	_ =	shalt  }
0x83: {  	_ =	shalt  }
0x84: {  	_ =	shalt  }
0x85: {  	_ =	shalt  }
0x86: {  	_ =	shalt  }
0x87: {  	_ =	shalt  }
.Lfunc_end0:
.L_simem_size_0:
called_computation_lowered:
.L_overlay_start_0:
0x88: {  	s2 =	sld [smem:$0x3FD9]  }
0x89: {  	s3 =	sld [smem:$0x3FFE];
	_ =	sdelay $0x1  }
0x8a: {  	s1 =	srdreg.scid  }
0x8b: {  	s0 =	sand.u32 $0x1, s1  }
0x8c: {  	s17 =	sshll.u32 s0, $0xA;
	s2 =	sadd.s32 s3, s2  }
0x8d: {  	s2 =	sadd.s32 s2, s17  }
0x8e: {  	[smem:$0x3FC0] =	sst s2  }
0x8f: {  	_ = 	snop  }
0x90: {  	s2 =	sld [smem:$0x3FC9]  }
0x91: {  	s18 =	sld [smem:$0x3FC8]  }
0x92: {  	s4 =	sld [smem:$0x3FC7]  }
0x93: {  	s5 =	sld [smem:$0x3FC4]  }
0x94: {  	s6 =	sld [smem:$0x3FD0];
	(tm) =	ssettm $0x1  }
0x95: {  	s7 =	sld [smem:$0x3FFB];
	_ =	sdelay $0x3  }
0x96: {  	_ =	strace s7  }
0x97: {  	s7 =	sld [smem:$0x3FFC];
	_ =	sdelay $0x3  }
0x98: {  	_ =	strace s7  }
0x99: {  	s7 =	sld [smem:$0x3FFD];
	_ =	sdelay $0x3  }
0x9a: {  	_ =	strace s7  }
0x9b: {  	_ =	strace $0x8FFFFFFF  }
0x9c: {  	s19 =	sld [smem:$0x3FDB];
	_ =	sdelay $0x1  }
0x9d: {  	s8 =	simm.s32 $_scs_section_size  }
0x9e: {  	s9 =	simm.s32 $_size__tile_overlayer_lowered;
	s10 =	simm.s32 $_tile_overlayer_lowered  }
0x9f: {  	s22 =	simm.s32 $0x1BFF;
	s21 =	sshll.u32 s10, $0x1;
	s7 =	sadd.s32 s8, s19  }
0xa0: {  	s11 =	simm.s32 $0x0;
	s20 =	sshll.u32 s9, $0x1;
	s9 =	sadd.s32 s21, s7  }
0xa1: {  	[timem:s11], [sflag:s22] =	dma.local [hbm:s9], s20  }
0xa2: {  	_ =	swait.ge [sflag:s22], s20  }
0xa3: {  	s8 =	ssub.s32 $0x0, s20;
	[sflag:s22] =	ssyncset.done $0x0  }
0xa4: {  	[sflag:s22] =	ssyncadd.s32 s8;
	_ =	sdelay $0x1  }
0xa5: {  	s23 =	simm.s32 $0x1B8B  }
0xa6: {  	_ =	swait.ge [sflag:s23], $0x1  }
0xa7: {  	[sflag:s23] =	ssyncset.done $0x0  }
0xa8: {  	s25 =	simm.s32 $0x1B8E;
	s24 =	sld [smem:$0x3FFE];
	[sflag:s23] =	ssyncadd.s32 $0xFFFFFFFF  }
0xa9: {  	s26 =	simm.s32 $execute0_lowered;
	[smem:$0x3FD2] =	sst s25  }
0xaa: {  	s9 =	sshll.u32 s26, $0x1;
	_ =	strace $0x80000046;
	[dreg:$0x1] =	wrdreg $0xFFFFFFFF  }
0xab: {  	s28 =	simm.s32 $_size_execute0_lowered;
	s7 =	sadd.s32 s7, s9;
	[dreg:$0x0] =	wrdreg $0x0  }
0xac: {  	s9 =	sshll.u32 s28, $0x1;
	[dreg:$0x2] =	wrdreg s7  }
0xad: {  	[dreg:$0x3] =	wrdreg s9  }
0xae: {  	[dreg:$0x4] =	wrdreg $0xC0  }
0xaf: {  	_ =	task [dreg:s11], $0x5FFFF  }
0xb0: {  	[dreg:$0x1] =	wrdreg $0xFFFFFFFF  }
0xb1: {  	[dreg:$0x0] =	wrdreg $0x60  }
0xb2: {  	[dreg:$0x2] =	wrdreg s2  }
0xb3: {  	[dreg:$0x3] =	wrdreg s24  }
0xb4: {  	[dreg:$0x4] =	wrdreg s18  }
0xb5: {  	[dreg:$0x5] =	wrdreg s4  }
0xb6: {  	[dreg:$0x6] =	wrdreg s5  }
0xb7: {  	[dreg:$0x7] =	wrdreg s6  }
0xb8: {  	[dreg:$0x8] =	wrdreg $0x3A000  }
0xb9: {  	[dreg:$0x9] =	wrdreg $0x3A200  }
0xba: {  	[dreg:$0xa] =	wrdreg $0x89C00  }
0xbb: {  	[dreg:$0xb] =	wrdreg $0xD9600  }
0xbc: {  	[dreg:$0xc] =	wrdreg $0x9  }
0xbd: {  	_ =	task.clear_ibuf [dreg:s11], $0xDFFFF;
	_ =	strace $0x90000046  }
0xbe: {  	s29 =	simm.s32 $0x9;
	_ =	strace $0x80000048  }
0xbf: {  	_ =	swait.ge [sflag:s29], $0x1  }
0xc0: {  	[sflag:s29] =	ssyncadd.s32 $0xFFFFFFFF  }
0xc1: {  	_ =	strace $0x90000048  }
0xc2: {  	_ =	sfence  }
0xc3: {  	s30 =	sld [smem:$0x0];
	_ =	sdelay $0x2  }
0xc4: {  	s31 =	sshll.u32 s1, $0xD;
	s1 =	sshrl.u32 s1, $0x2  }
0xc5: {  	s3 =	sand.u32 $0x4000, s31;
	s1 =	sadd.s32 s1, s30  }
0xc6: {  	s0 =	sor.u32 s3, s0;
	s1 =	sshll.u32 s1, $0x11  }
0xc7: {  	s0 =	sor.u32 s1, s0  }
0xc8: {  	s0 =	sadd.s32 $0x8F2B, s0  }
0xc9: {  	[sflag:s0] =	ssyncadd.remote.s32 $0x1  }
0xca: {  	_ =	sfence.sel $0xFFFF  }
0xcb: {  	[dreg:$0x0] =	wrdreg $0xFFFFFFFF;
	(pc) =	sbr.abs _section_cstart, $3  }
0xcc: {  	[dreg:$0x1] =	wrdreg $0xFFFFFFFF  }
0xcd: {  	_ =	task.clear_ibuf [dreg:s11], $0x2FFFF;
	_ =	strace $0x9FFFFFFF  }
0xce: {  	(tm) =	ssettm $0x7FFFFFFF  }
0xcf: {  	_ =	shalt  }
tec
execute0_lowered:
.L_overlay_start_1:
0x0: {  	(tag) =	ssettag $0x1  }
0x1: {  	s2 =	rddreg [dreg:$0x0]  }
0x2: {  	s4 =	rddreg [dreg:$0x1]  }
0x3: {  	s0 =	rddreg [dreg:$0x2]  }
0x4: {  	s1 =	rddreg [dreg:$0x3]  }
0x5: {  	s3 =	rddreg [dreg:$0x4]  }
0x6: {  	s9 =	rddreg [dreg:$0x5]  }
0x7: {  	s19 =	rddreg [dreg:$0x6]  }
0x8: {  	s5 =	rddreg [dreg:$0x7]  }
0x9: {  	s6 =	rddreg [dreg:$0x8];
	s8 =	simm.s32 $0x0  }
0xa: {  	[smem:$0x7FF] =	sst s8  }
0xb: {  	s7 =	rddreg [dreg:$0x9];
	v0 =	vimm.s32 $0x7;
	_ =	strace $0x80000047  }
0xc: {  	(xrf1) =	vunique.msk.u32 $0xffff, v0;
	_ =	sdelay $0x8  }
0xd: {  	s11 =	srdreg.scid;
	s21 =	stileid.u32  }
0xe: {  	s20 =	simm.s32 $0x3000;
	s22 =	simm.s32 $0x800;
	s28 =	simm.s32 $0x3080  }
0xf: {  	s29 =	simm.s32 $0x50;
	s30 =	simm.s32 $0x1;
	s31 =	simm.s32 $0x14900  }
0x10: {  	s10 =	sadd.s32 $0x400, s4;
	s11 =	sand.u32 $0x1, s11;
	s13 =	sshll.u32 s21, $0x1  }
0x11: {  	s4 =	sadd.s32 $0xA200, s4;
	s12 =	ssub.s32 $0x2, s11;
	s11 =	sshll.u32 s11, $0x5  }
0x12: {  	s15 =	sshll.u32 s21, $0x8;
	s17 =	sshll.u32 s21, $0x7;
	s11 =	sor.u32 s13, s11;
	_, v0, _ =	vpop (xrf1)  }
0x13: {  	p0 =	seq.s32 s21, $0xF;
	s13 =	sshrl.u32 s11, $0x3;
	s16 =	sor.u32 $0x1, s11;
	v0 =	vxor.u32 $0x80000000, v0  }
0x14: {  	p3 =	sgt.u32 s21, $0x4;
	s13 =	smul.u32 $0x13C00, s13;
	s18 =	sshll.u32 s16, $0x7;
	(xrf0) =	vmin.scan.msk.u32 $0xffff, v0  }
0x15: {  	p4 =	sgt.u32 s21, $0x3;
	s15 =	sand.u32 $0x300, s15;
	s25 =	sand.u32 $0x380, s18  }
0x16: {  	p5 =	sgt.u32 s21, $0x2;
	s15 =	sor.u32 s15, s13;
	s13 =	sor.u32 s13, s25  }
0x17: {  	p6 =	sgt.u32 s21, $0x1;
	s15 =	sshrl.u32 s15, $0x3;
	s13 =	sshrl.u32 s13, $0x3  }
0x18: {  	[dreg:$0xb] =	wrdreg s4;
	s26 =	sadd.s32 s2, s15;
	s2 =	sadd.s32 s2, s13  }
0x19: {  	s17 =	sadd.s32 s17, s19;
	[dreg:$0xf] =	wrdreg s2;
	s2 =	simm.s32 @!p0 $0x0  }
0x1a: {  	s19 =	simm.s32 $0x2;
	s2 =	simm.s32 @p0 $0x1;
	p0 =	sgt.u32 s21, $0xD;
	v0, _, _ =	vpop (xrf0)  }
0x1b: {  	s24 =	sshrl.u32 s12, $0x1;
	[smem:$0x7F4] =	sst s2;
	s2 =	simm.s32 @!p0 $0x0;
	(v2sf) =	vpush v0, $0xF  }
0x1c: {  	[dreg:$0xc] =	wrdreg s17;
	s2 =	simm.s32 @p0 $0x1;
	p0 =	sgt.u32 s21, $0xC  }
0x1d: {  	s4 =	ssub.s32 s12, s24;
	[smem:$0x7F5] =	sst s2;
	s2 =	simm.s32 @!p0 $0x0  }
0x1e: {  	s11 =	sshll.u32 s11, $0x9;
	s2 =	simm.s32 @p0 $0x1;
	p0 =	sgt.u32 s21, $0xB  }
0x1f: {  	s24 =	smax.u32 s4, $0x1;
	[smem:$0x7F6] =	sst s2;
	s2 =	simm.s32 @!p0 $0x0  }
0x20: {  	[dreg:$0x11] =	wrdreg s24;
	s2 =	simm.s32 @p0 $0x1;
	p0 =	sgt.u32 s21, $0xA  }
0x21: {  	s25 =	sshrl.u32 s11, $0x2;
	[smem:$0x7F7] =	sst s2;
	s2 =	simm.s32 @!p0 $0x0  }
0x22: {  	[dreg:$0x12] =	wrdreg s25;
	s2 =	simm.s32 @p0 $0x1;
	p0 =	sgt.u32 s21, $0x9  }
0x23: {  	s12 =	smul.u32 $0x4E20, s21;
	[smem:$0x7F8] =	sst s2;
	s2 =	simm.s32 @!p0 $0x0  }
0x24: {  	[dreg:$0xd] =	wrdreg s26;
	s2 =	simm.s32 @p0 $0x1;
	p0 =	sgt.u32 s21, $0x8  }
0x25: {  	s15 =	sadd.s32 s9, s15;
	[smem:$0x7F9] =	sst s2;
	s2 =	simm.s32 @!p0 $0x0  }
0x26: {  	[dreg:$0xe] =	wrdreg s15;
	s2 =	simm.s32 @p0 $0x1;
	p0 =	sgt.u32 s21, $0x7  }
0x27: {  	s23 =	sadd.s32 s9, s13;
	[smem:$0x7FA] =	sst s2;
	s2 =	simm.s32 @!p0 $0x0  }
0x28: {  	s18 =	sshll.u32 s16, $0x9;
	[dreg:$0x10] =	wrdreg s23;
	s2 =	simm.s32 @p0 $0x1  }
0x29: {  	s11 =	simm.s32 $0x17080;
	p0 =	sgt.u32 s21, $0x6;
	[smem:$0x7FB] =	sst s2  }
.Ltmp0:
0x2a: {  	s2 =	simm.s32 @!p0 $0x0;
	s14 =	spop (v2sf);
	(pc) =	sbr.rel .LBB2_1-.Ltmp0, $4  }
0x2b: {  	s2 =	simm.s32 @p0 $0x1;
	p0 =	sgt.u32 s21, $0x5;
	s14 =	sxor.u32 $0x80000000, s14  }
0x2c: {  	s26 =	sshrl.u32 s18, $0x2;
	[smem:$0x7FC] =	sst s2;
	s2 =	simm.s32 @!p0 $0x0;
	v0 =	vmov s14  }
0x2d: {  	v2 =	vimm.s32 $0x0;
	s25 =	simm.s32 $0x1000;
	[dreg:$0x13] =	wrdreg s26;
	s2 =	simm.s32 @p0 $0x1;
	v1 =	vsub.s32 $0x1, v0  }
0x2e: {  	v3 =	vimm.f32 $0.0e+00;
	v4 =	vlaneseq.u32;
	s26 =	simm.s32 $0x1800;
	p0 =	seq.s32 s21, $0x0;
	[smem:$0x7FD] =	sst s2;
	v1 =	vbroadcast v1, $0x0  }
.LBB2_39:
0x2f: {  	s2 =	rddreg [dreg:$0x10];
	s4 =	simm.s32 $0x80;
	s9 =	simm.s32 $0x400  }
0x30: {  	[hbm4b:s2+s4] =	stream.strided.scatter [tilespmem:s11], [sflag:$0x2], $0x2780, s9, s4, $0x38;
	[tilespmem:$0x1C000] =	vst v63  }
0x31: {  	_ =	swait.ge [sflag:s19], $0x2780  }
0x32: {  	s8 =	sadd.s32 $0x1, s8;
	s24 =	rddreg [dreg:$0x11]  }
0x33: {  	p1 =	sne.s32 s8, s24  }
.Ltmp1:
0x34: {  	_ = 	snop;
	(pc) =	sbr.rel @!p1 .LBB2_40-.Ltmp1, $3  }
0x35: {  	_ =	sdelay $0x1  }
0x36: {  	[sflag:s19] =	ssyncset.done $0x0  }
0x37: {  	[sflag:s19] =	ssyncadd.s32 $0xFFFFD880  }
.LBB2_1:
0x38: {  	[tilespmem:$0x3000] =	vst v2  }
0x39: {  	[tilespmem:$0x3010] =	vst v2;
	s13 =	simm.s32 $0x0  }
.LBB2_2:
0x3a: {  	s2 =	smul.u32 $0x7D0, s13;
	_ =	sdelay $0x1  }
0x3b: {  	s2 =	sadd.s32 s12, s2  }
0x3c: {  	s2 =	sshrl.u32 s2, $0x3  }
0x3d: {  	s4 =	simm.s32 $0x0;
	s2 =	sadd.s32 s10, s2  }
0x3e: {  	[tilespmem:s4], [sflag:$0x2] =	stream.linear.gather [hbm4b:s2+s4], $0x7D0, $0x38;
	[tilespmem:$0x1C000] =	vst v63  }
0x3f: {  	_ =	swait.ge [sflag:s19], $0x7D0  }
0x40: {  	[sflag:s19] =	ssyncset.done $0x0  }
0x41: {  	s14 =	simm.s32 $0x40;
	s2 =	simm.s32 $0x0;
	[sflag:s19] =	ssyncadd.s32 $0xFFFFF830  }
.LBB2_3:
0x42: {  	p1 =	sne.s32 s14, $0x1F00;
	v5 =	vld [tilespmem:s2+$0x0];
	_ =	sdelay $0x4  }
0x43: {  	(xrf1) =	vunique.msk.u32 $0xffff, v5;
	_ =	sdelay $0xb  }
0x44: {  	v6 =	vld.idx.msk [tilespmem:v5+s20+$0x0], $0xffff;
	_ =	sdelay $0x1  }
0x45: {  	_, v7, vm0 =	vpop (xrf1);
	_ =	sdelay $0x1  }
.Ltmp2:
0x46: {  	(pc) =	sbr.rel @p1 .LBB2_3-.Ltmp2, $4  }
0x47: {  	_ = 	snop  }
0x48: {  	v6 =	vadd.s32 v6, v1  }
0x49: {  	v6 =	vadd.s32 v7, v6  }
0x4a: {  	s2 =	sshra.s32 s14, $0x2;
	s14 =	sadd.s32 $0x40, s14;
	[tilespmem:v5+s20+$0x0] =	vst.idx.msk vm0, v6  }
0x4b: {  	v5 =	vld [tilespmem:s2+$0x0];
	_ =	sdelay $0x4  }
0x4c: {  	(xrf1) =	vunique.msk.u32 $0xffff, v5;
	_ =	sdelay $0xc  }
0x4d: {  	v6 =	vld.idx.msk [tilespmem:v5+s20+$0x0], $0xffff  }
0x4e: {  	s13 =	sadd.s32 $0x1, s13;
	_, v7, vm0 =	vpop (xrf1)  }
0x4f: {  	p1 =	sne.s32 s13, $0xA  }
.Ltmp3:
0x50: {  	_ = 	snop;
	(pc) =	sbr.rel @p1 .LBB2_2-.Ltmp3, $4  }
0x51: {  	_ = 	snop  }
0x52: {  	v6 =	vadd.s32 v6, v1  }
0x53: {  	v6 =	vadd.s32 v7, v6  }
0x54: {  	[tilespmem:v5+s20+$0x0] =	vst.idx.msk vm0, v6  }
0x55: {  	s2 =	rddreg [dreg:$0xc]  }
0x56: {  	[spmem:s2] =	stream.linear.scatter [tilespmem:s20], [sflag:$0x2], $0x80, $0x38;
	[tilespmem:$0x1C000] =	vst v63  }
0x57: {  	_ =	swait.ge [sflag:s19], $0x80  }
0x58: {  	[sflag:s19] =	ssyncset.done $0x0  }
0x59: {  	[sflag:s19] =	ssyncadd.s32 $0xFFFFFF80  }
0x5a: {  	[bflag:$0x0] =	sbarrier.arrive $0xFFFF  }
0x5b: {  	s4 =	simm.s32 $0x3200;
	s24 =	rddreg [dreg:$0x6]  }
0x5c: {  	[tilespmem:s4], [sflag:$0x2] =	stream.linear.gather [spmem:s24], $0x800, $0x38;
	[tilespmem:$0x1C000] =	vst v63  }
0x5d: {  	_ =	swait.ge [sflag:s19], $0x800  }
0x5e: {  	[sflag:s19] =	ssyncset.done $0x0  }
0x5f: {  	[sflag:s19] =	ssyncadd.s32 $0xFFFFF800  }
0x60: {  	v5 =	vld [tilespmem:$0x3200]  }
0x61: {  	v6 =	vld [tilespmem:$0x3210]  }
0x62: {  	v7 =	vld [tilespmem:$0x3280]  }
0x63: {  	v8 =	vld [tilespmem:$0x3290]  }
0x64: {  	v9 =	vld [tilespmem:$0x3300]  }
0x65: {  	v10 =	vld [tilespmem:$0x3310]  }
0x66: {  	v11 =	vld [tilespmem:$0x3380]  }
0x67: {  	v12 =	vld [tilespmem:$0x3390]  }
0x68: {  	v13 =	vld [tilespmem:$0x3400]  }
0x69: {  	v14 =	vld [tilespmem:$0x3410]  }
0x6a: {  	v15 =	vld [tilespmem:$0x3480]  }
0x6b: {  	v16 =	vld [tilespmem:$0x3490]  }
0x6c: {  	v17 =	vld [tilespmem:$0x3500]  }
0x6d: {  	v18 =	vld [tilespmem:$0x3510]  }
0x6e: {  	v19 =	vld [tilespmem:$0x3580]  }
0x6f: {  	v21 =	vld [tilespmem:$0x3590];
	v20 =	vadd.s32 v5, v7  }
0x70: {  	v22 =	vld [tilespmem:$0x3600];
	v20 =	vadd.s32 v9, v20  }
0x71: {  	v23 =	vld [tilespmem:$0x3610];
	v20 =	vadd.s32 v11, v20  }
0x72: {  	v24 =	vld [tilespmem:$0x3680];
	v20 =	vadd.s32 v13, v20  }
0x73: {  	v25 =	vld [tilespmem:$0x3700];
	v20 =	vadd.s32 v15, v20  }
0x74: {  	v26 =	vld [tilespmem:$0x3780];
	v20 =	vadd.s32 v17, v20  }
0x75: {  	v27 =	vld [tilespmem:$0x3800];
	v20 =	vadd.s32 v19, v20  }
0x76: {  	v29 =	vld [tilespmem:$0x3880];
	v28 =	vadd.s32 v6, v8;
	v20 =	vadd.s32 v22, v20  }
0x77: {  	v30 =	vld [tilespmem:$0x3900];
	v28 =	vadd.s32 v10, v28;
	v20 =	vadd.s32 v24, v20  }
0x78: {  	v31 =	vld [tilespmem:$0x3980];
	v28 =	vadd.s32 v12, v28;
	v20 =	vadd.s32 v25, v20  }
0x79: {  	v32 =	vld [tilespmem:$0x3690];
	v28 =	vadd.s32 v14, v28;
	v20 =	vadd.s32 v26, v20  }
0x7a: {  	v33 =	vld [tilespmem:$0x3710];
	v28 =	vadd.s32 v16, v28;
	v20 =	vadd.s32 v27, v20  }
0x7b: {  	v34 =	vld [tilespmem:$0x3790];
	v28 =	vadd.s32 v18, v28;
	v20 =	vadd.s32 v29, v20  }
0x7c: {  	v35 =	vld [tilespmem:$0x3810];
	v28 =	vadd.s32 v21, v28;
	v20 =	vadd.s32 v30, v20  }
0x7d: {  	v36 =	vld [tilespmem:$0x3890];
	v28 =	vadd.s32 v23, v28;
	v20 =	vadd.s32 v31, v20  }
0x7e: {  	v49 =	vld [tilespmem:$0x3910];
	v28 =	vadd.s32 v32, v28;
	v37 =	vadd.s32 $0x7F, v20  }
0x7f: {  	v38 =	vld [tilespmem:$0x3990];
	v28 =	vadd.s32 v33, v28;
	v37 =	vand.u32 $0xFFFFFF80, v37  }
0x80: {  	v28 =	vadd.s32 v34, v28;
	(xrf0) =	vadd.scan.msk.s32 $0xffff, v37  }
0x81: {  	v28 =	vadd.s32 v35, v28  }
0x82: {  	v28 =	vadd.s32 v36, v28  }
0x83: {  	v28 =	vadd.s32 v49, v28  }
0x84: {  	v28 =	vadd.s32 v38, v28  }
0x85: {  	v38 =	vadd.s32 $0x7F, v28  }
0x86: {  	v38 =	vand.u32 $0xFFFFFF80, v38;
	v39, _, _ =	vpop (xrf0)  }
0x87: {  	(xrf0) =	vadd.scan.msk.s32 $0xffff, v38;
	v40 =	vxor.u32 $0x80000000, v39  }
0x88: {  	(xrf0) =	vmax.scan.msk.u32 $0xffff, v40;
	_ =	sdelay $0x1  }
0x89: {  	v5 =	vpsel p0, $0x0, v5;
	v6 =	vpsel p0, $0x0, v6  }
0x8a: {  	s4 =	sld [smem:$0x7FD];
	v7 =	vpsel !p6, $0x0, v7;
	v8 =	vpsel !p6, $0x0, v8;
	v51 =	vpsel !p4, $0x0, v11  }
0x8b: {  	s9 =	sld [smem:$0x7FC];
	v52 =	vpsel !p3, $0x0, v14;
	v5 =	vadd.s32 v5, v7;
	v7 =	vpsel !p5, $0x0, v9  }
0x8c: {  	v6 =	vadd.s32 v6, v8;
	v5 =	vadd.s32 v7, v5;
	v7 =	vpsel !p5, $0x0, v10;
	v50, _, _ =	vpop (xrf0)  }
0x8d: {  	v6 =	vadd.s32 v7, v6;
	v5 =	vadd.s32 v51, v5;
	v7 =	vpsel !p4, $0x0, v12;
	v41, _, _ =	vpop (xrf0)  }
0x8e: {  	s13 =	sld [smem:$0x7FB];
	p1 =	seq.s32 s4, $0x1;
	p2 =	seq.s32 s9, $0x1;
	v6 =	vadd.s32 v7, v6;
	v7 =	vpsel !p3, $0x0, v13;
	(v2sf) =	vpush v41, $0xF  }
0x8f: {  	s14 =	sld [smem:$0x7FA];
	v53 =	vpsel !p2, $0x0, v17;
	v5 =	vadd.s32 v7, v5;
	v7 =	vpsel !p1, $0x0, v15  }
0x90: {  	v6 =	vadd.s32 v52, v6;
	v5 =	vadd.s32 v7, v5;
	v7 =	vpsel !p1, $0x0, v16  }
0x91: {  	s15 =	sld [smem:$0x7F9];
	v6 =	vadd.s32 v7, v6;
	v5 =	vadd.s32 v53, v5;
	v7 =	vpsel !p2, $0x0, v18;
	p2 =	seq.s32 s13, $0x1  }
0x92: {  	v6 =	vadd.s32 v7, v6;
	v7 =	vpsel !p2, $0x0, v19;
	v54 =	vpsel !p2, $0x0, v21;
	p2 =	seq.s32 s14, $0x1  }
0x93: {  	s16 =	sld [smem:$0x7F8];
	v5 =	vadd.s32 v7, v5;
	v7 =	vpsel !p2, $0x0, v22  }
0x94: {  	s17 =	sld [smem:$0x7F7];
	v5 =	vadd.s32 v7, v5;
	v7 =	vpsel !p2, $0x0, v23;
	p2 =	seq.s32 s15, $0x1  }
0x95: {  	v6 =	vadd.s32 v54, v6;
	v55 =	vpsel !p2, $0x0, v24  }
0x96: {  	s18 =	sld [smem:$0x7F6];
	v6 =	vadd.s32 v7, v6;
	v7 =	vpsel !p2, $0x0, v32;
	p2 =	seq.s32 s16, $0x1;
	v5 =	vadd.s32 v55, v5  }
0x97: {  	s23 =	sld [smem:$0x7F5];
	v6 =	vadd.s32 v7, v6;
	v7 =	vpsel !p2, $0x0, v25;
	v56 =	vpsel !p2, $0x0, v33;
	p2 =	seq.s32 s17, $0x1  }
0x98: {  	s24 =	sld [smem:$0x7F4];
	v5 =	vadd.s32 v7, v5;
	v7 =	vpsel !p2, $0x0, v26  }
0x99: {  	v6 =	vadd.s32 v56, v6;
	v5 =	vadd.s32 v7, v5;
	v7 =	vpsel !p2, $0x0, v34;
	p2 =	seq.s32 s18, $0x1  }
0x9a: {  	v57 =	vpsel !p2, $0x0, v27;
	v6 =	vadd.s32 v7, v6;
	v59 =	vpsel !p2, $0x0, v35;
	p2 =	seq.s32 s23, $0x1  }
0x9b: {  	v5 =	vadd.s32 v57, v5;
	v60 =	vpsel !p2, $0x0, v29;
	v61 =	vpsel !p2, $0x0, v36;
	p2 =	seq.s32 s24, $0x1  }
0x9c: {  	[tilespmem:$0x3180] =	vst v20;
	v6 =	vadd.s32 v59, v6;
	v5 =	vadd.s32 v60, v5;
	v62 =	vpsel !p2, $0x0, v30  }
0x9d: {  	[tilespmem:$0x3190] =	vst v28;
	v6 =	vadd.s32 v61, v6;
	v5 =	vadd.s32 v62, v5;
	v7 =	vsub.s32 v39, v37;
	s21 =	spop (v2sf)  }
0x9e: {  	v63 =	vpsel !p2, $0x0, v49;
	[tilespmem:$0x3100] =	vst v7;
	v5 =	vadd.s32 v7, v5;
	v58 =	vsub.s32 v50, v38;
	s2 =	sxor.u32 $0x80000000, s21  }
0x9f: {  	v6 =	vadd.s32 v63, v6;
	[tilespmem:$0x3080] =	vst v5;
	v8 =	vadd.s32 s2, v58  }
0xa0: {  	[tilespmem:$0x3110] =	vst v8;
	v5 =	vadd.s32 v8, v6  }
0xa1: {  	s13 =	simm.s32 $0x0;
	s14 =	simm.s32 $0x0;
	[tilespmem:$0x3090] =	vst v5  }
.LBB2_6:
0xa2: {  	s2 =	smul.u32 $0x7D0, s14;
	_ =	sdelay $0x1  }
0xa3: {  	s2 =	sadd.s32 s12, s2  }
0xa4: {  	s2 =	sshrl.u32 s2, $0x3  }
0xa5: {  	s4 =	sadd.s32 s10, s2  }
0xa6: {  	[tilespmem:s13], [sflag:$0x2] =	stream.linear.gather [hbm4b:s4+s13], $0x7D0, $0x38;
	[tilespmem:$0x1C000] =	vst v63  }
0xa7: {  	_ =	swait.ge [sflag:s19], $0x7D0  }
0xa8: {  	[sflag:s19] =	ssyncset.done $0x0  }
0xa9: {  	s23 =	sadd.s32 s0, s2;
	[sflag:s19] =	ssyncadd.s32 $0xFFFFF830  }
0xaa: {  	[tilespmem:s22], [sflag:$0x2] =	stream.linear.gather [hbm4b:s23+s13], $0x7D0, $0x38;
	[tilespmem:$0x1C000] =	vst v63  }
0xab: {  	_ =	swait.ge [sflag:s19], $0x7D0  }
0xac: {  	[sflag:s19] =	ssyncset.done $0x0  }
0xad: {  	s24 =	sadd.s32 s1, s2;
	[sflag:s19] =	ssyncadd.s32 $0xFFFFF830  }
0xae: {  	[tilespmem:s25], [sflag:$0x2] =	stream.linear.gather [hbm4b:s24+s13], $0x7D0, $0x38;
	[tilespmem:$0x1C000] =	vst v63  }
0xaf: {  	_ =	swait.ge [sflag:s19], $0x7D0  }
0xb0: {  	[sflag:s19] =	ssyncset.done $0x0  }
0xb1: {  	s2 =	sadd.s32 s3, s2;
	[sflag:s19] =	ssyncadd.s32 $0xFFFFF830  }
0xb2: {  	[tilespmem:s26], [sflag:$0x2] =	stream.linear.gather [hbm4b:s2+s13], $0x7D0, $0x38;
	[tilespmem:$0x1C000] =	vst v63  }
0xb3: {  	_ =	swait.ge [sflag:s19], $0x7D0  }
0xb4: {  	[sflag:s19] =	ssyncset.done $0x0  }
0xb5: {  	s15 =	simm.s32 $0x2000;
	s16 =	simm.s32 $0x0;
	[sflag:s19] =	ssyncadd.s32 $0xFFFFF830  }
.LBB2_7:
0xb6: {  	s2 =	sshra.s32 s16, $0x2  }
0xb7: {  	v5 =	vld [tilespmem:s2+$0x0];
	_ =	sdelay $0x4  }
0xb8: {  	(xrf1) =	vunique.msk.u32 $0xffff, v5;
	_ =	sdelay $0xc  }
0xb9: {  	v6 =	vld.idx.msk [tilespmem:v5+s28+$0x0], $0xffff  }
0xba: {  	_, v7, vm0 =	vpop (xrf1);
	_ =	sdelay $0x2  }
0xbb: {  	v7 =	vsub.s32 v7, v0  }
0xbc: {  	v6 =	vadd.s32 v6, v7  }
0xbd: {  	v7 =	vadd.s32 $0x1, v6  }
0xbe: {  	[tilespmem:v5+s28+$0x0] =	vst.idx.msk vm0, v7  }
0xbf: {  	[tilespmem:s15+$0x0] =	vst v6  }
0xc0: {  	v5 =	vld [tilespmem:s2+$0x10];
	_ =	sdelay $0x4  }
0xc1: {  	(xrf1) =	vunique.msk.u32 $0xffff, v5;
	_ =	sdelay $0xc  }
0xc2: {  	v6 =	vld.idx.msk [tilespmem:v5+s28+$0x0], $0xffff  }
0xc3: {  	_, v7, vm0 =	vpop (xrf1);
	_ =	sdelay $0x2  }
0xc4: {  	v7 =	vsub.s32 v7, v0  }
0xc5: {  	v6 =	vadd.s32 v6, v7  }
0xc6: {  	v7 =	vadd.s32 $0x1, v6  }
0xc7: {  	[tilespmem:v5+s28+$0x0] =	vst.idx.msk vm0, v7  }
0xc8: {  	[tilespmem:s15+$0x10] =	vst v6  }
0xc9: {  	v5 =	vld [tilespmem:s2+$0x20];
	_ =	sdelay $0x4  }
0xca: {  	(xrf1) =	vunique.msk.u32 $0xffff, v5;
	_ =	sdelay $0xc  }
0xcb: {  	v6 =	vld.idx.msk [tilespmem:v5+s28+$0x0], $0xffff  }
0xcc: {  	_, v7, vm0 =	vpop (xrf1);
	_ =	sdelay $0x2  }
0xcd: {  	v7 =	vsub.s32 v7, v0  }
0xce: {  	v6 =	vadd.s32 v6, v7  }
0xcf: {  	v7 =	vadd.s32 $0x1, v6  }
0xd0: {  	[tilespmem:v5+s28+$0x0] =	vst.idx.msk vm0, v7  }
0xd1: {  	[tilespmem:s15+$0x20] =	vst v6  }
0xd2: {  	v5 =	vld [tilespmem:s2+$0x30];
	_ =	sdelay $0x4  }
0xd3: {  	(xrf1) =	vunique.msk.u32 $0xffff, v5;
	_ =	sdelay $0xc  }
0xd4: {  	v6 =	vld.idx.msk [tilespmem:v5+s28+$0x0], $0xffff  }
0xd5: {  	_, v7, vm0 =	vpop (xrf1);
	_ =	sdelay $0x2  }
0xd6: {  	v7 =	vsub.s32 v7, v0  }
0xd7: {  	v6 =	vadd.s32 v6, v7  }
0xd8: {  	v7 =	vadd.s32 $0x1, v6  }
0xd9: {  	[tilespmem:v5+s28+$0x0] =	vst.idx.msk vm0, v7  }
0xda: {  	[tilespmem:s15+$0x30] =	vst v6  }
0xdb: {  	v5 =	vld [tilespmem:s2+$0x40];
	_ =	sdelay $0x4  }
0xdc: {  	(xrf1) =	vunique.msk.u32 $0xffff, v5;
	_ =	sdelay $0xc  }
0xdd: {  	v6 =	vld.idx.msk [tilespmem:v5+s28+$0x0], $0xffff  }
0xde: {  	_, v7, vm0 =	vpop (xrf1);
	_ =	sdelay $0x2  }
0xdf: {  	v7 =	vsub.s32 v7, v0  }
0xe0: {  	v6 =	vadd.s32 v6, v7  }
0xe1: {  	v7 =	vadd.s32 $0x1, v6  }
0xe2: {  	[tilespmem:v5+s28+$0x0] =	vst.idx.msk vm0, v7  }
0xe3: {  	p1 =	sne.s32 s16, $0x1E00;
	s4 =	sadd.s32 $0x800, s2;
	[tilespmem:s15+$0x40] =	vst v6  }
0xe4: {  	[spmem:s5] =	stream.indirect.scatter [tilespmem:s4], [sflag:$0x1], $0x1, s15, s29, $0xb8;
	[tilespmem:$0x1C000] =	vst v63  }
.Ltmp4:
0xe5: {  	s24 =	sadd.s32 $0x1000, s2;
	(pc) =	sbr.rel @p1 .LBB2_7-.Ltmp4, $4  }
0xe6: {  	[spmem:s6] =	stream.indirect.scatter [tilespmem:s24], [sflag:$0x1], $0x1, s15, s29, $0xb8;
	[tilespmem:$0x1C000] =	vst v63  }
0xe7: {  	s2 =	sadd.s32 $0x1800, s2  }
0xe8: {  	[spmem:s7] =	stream.indirect.scatter [tilespmem:s2], [sflag:$0x1], $0x1, s15, s29, $0xb8;
	[tilespmem:$0x1C000] =	vst v63  }
0xe9: {  	s16 =	sadd.s32 $0x140, s16;
	s15 =	sadd.s32 $0x80, s15  }
0xea: {  	_ =	swait.ge [sflag:s30], $0x50  }
0xeb: {  	[sflag:s30] =	ssyncset.done $0x0  }
0xec: {  	[sflag:s30] =	ssyncadd.s32 $0xFFFFFFB0  }
0xed: {  	_ =	swait.ge [sflag:s30], $0x50  }
0xee: {  	[sflag:s30] =	ssyncset.done $0x0  }
0xef: {  	[sflag:s30] =	ssyncadd.s32 $0xFFFFFFB0  }
0xf0: {  	_ =	swait.ge [sflag:s30], $0x50  }
0xf1: {  	s2 =	simm.s32 $0x18;
	[sflag:s30] =	ssyncset.done $0x0  }
.LBB2_9:
0xf2: {  	p1 =	sne.s32 s2, $0x1;
	s2 =	sadd.s32 $0xFFFFFFFF, s2;
	[sflag:s30] =	ssyncadd.s32 $0xFFFFFFB0  }
0xf3: {  	_ =	swait.ge [sflag:s30], $0x50  }
0xf4: {  	[sflag:s30] =	ssyncset.done $0x0  }
0xf5: {  	[sflag:s30] =	ssyncadd.s32 $0xFFFFFFB0  }
.Ltmp5:
0xf6: {  	_ =	swait.ge [sflag:s30], $0x50;
	(pc) =	sbr.rel @p1 .LBB2_9-.Ltmp5, $4  }
0xf7: {  	[sflag:s30] =	ssyncset.done $0x0  }
0xf8: {  	[sflag:s30] =	ssyncadd.s32 $0xFFFFFFB0  }
0xf9: {  	_ =	swait.ge [sflag:s30], $0x50  }
0xfa: {  	[sflag:s30] =	ssyncset.done $0x0  }
0xfb: {  	s14 =	sadd.s32 $0x1, s14  }
0xfc: {  	p1 =	sne.s32 s14, $0xA  }
.Ltmp6:
0xfd: {  	_ = 	snop;
	(pc) =	sbr.rel @p1 .LBB2_6-.Ltmp6, $2  }
0xfe: {  	_ =	sdelay $0x2  }
0xff: {  	[sflag:s30] =	ssyncadd.s32 $0xFFFFFFB0  }
0x100: {  	[bflag:$0x0] =	sbarrier.arrive $0xFFFF  }
0x101: {  	s2 =	simm.s32 $0x0;
	s9 =	simm.s32 $0x12900;
	s4 =	rddreg [dreg:$0xb]  }
0x102: {  	[tilespmem:s9], [sflag:$0x2] =	stream.linear.gather [hbm4b:s4+s2], $0x2000, $0x38;
	[tilespmem:$0x1C000] =	vst v63  }
0x103: {  	_ =	swait.ge [sflag:s19], $0x2000  }
0x104: {  	[sflag:s19] =	ssyncset.done $0x0  }
0x105: {  	s16 =	rddreg [dreg:$0x12];
	[sflag:s19] =	ssyncadd.s32 $0xFFFFE000  }
0x106: {  	v5 =	vld [tilespmem:s16+$0x12900];
	_ =	sdelay $0x6  }
0x107: {  	s17 =	simm.s32 $0x3100;
	s18 =	simm.s32 $0x3180  }
0x108: {  	s23 =	simm.s32 $0x80;
	s24 =	simm.s32 $0x400;
	s21 =	rddreg [dreg:$0xd];
	v6 =	vld.idx.msk [tilespmem:v5+s17+$0x0], $0xffff  }
0x109: {  	v5 =	vld.idx.msk [tilespmem:v5+s18+$0x0], $0xffff;
	[tilespmem:s31], [sflag:$0x2] =	stream.strided.gather [hbm4b:s21+s23], $0x2780, s24, s23, $0x38  }
0x10a: {  	_ =	swait.ge [sflag:s19], $0x2780  }
0x10b: {  	[sflag:s19] =	ssyncset.done $0x0  }
0x10c: {  	s14 =	simm.s32 $0x0;
	s2 =	simm.s32 $0x40;
	[sflag:s19] =	ssyncadd.s32 $0xFFFFD880  }
.LBB2_12:
0x10d: {  	p1 =	sne.s32 s2, $0x9C00;
	[tilespmem:s14+$0x17080] =	vst v3;
	s4 =	smov.u32 s2;
	s2 =	sadd.s32 $0x40, s2  }
.Ltmp7:
0x10e: {  	(pc) =	sbr.rel @p1 .LBB2_12-.Ltmp7, $2  }
0x10f: {  	_ =	sdelay $0x2  }
0x110: {  	s14 =	sshra.s32 s4, $0x2  }
0x111: {  	v6 =	vxor.u32 $0x80000000, v6  }
0x112: {  	v5 =	vxor.u32 $0x80000000, v5;
	(xrf0) =	vmin.scan.msk.u32 $0xffff, v6  }
0x113: {  	(xrf0) =	vmin.scan.msk.u32 $0xffff, v5;
	_ =	sdelay $0x4  }
0x114: {  	v5, _, _ =	vpop (xrf0)  }
0x115: {  	(v2sf) =	vpush v5, $0xF;
	v5, _, _ =	vpop (xrf0)  }
0x116: {  	(v2sf) =	vpush v5, $0xF;
	_ =	sdelay $0xd  }
0x117: {  	s2 =	spop (v2sf)  }
0x118: {  	s4 =	spop (v2sf)  }
0x119: {  	s9 =	sadd.s32 $0x800007FF, s4  }
0x11a: {  	s13 =	sand.u32 $0x7FF, s9  }
0x11b: {  	s24 =	sshra.s32 s9, $0x1F;
	p2 =	slt.s32 s9, $0x1;
	p1 =	sne.s32 s13, $0x0  }
0x11c: {  	s13 =	sshrl.u32 s24, $0x15;
	p1 =	por !p2, !p1  }
0x11d: {  	s9 =	sadd.s32 s13, s9;
	s13 =	simm.s32 $0x1;
	p1 =	por !p1, !p1  }
0x11e: {  	s9 =	sshra.s32 s9, $0xB;
	s13 =	simm.s32 @!p1 $0x0  }
0x11f: {  	s13 =	ssub.s32 s9, s13  }
0x120: {  	p1 =	slt.s32 s13, $0x1  }
.Ltmp8:
0x121: {  	_ = 	snop;
	(pc) =	sbr.rel @p1 .LBB2_25-.Ltmp8, $2  }
0x122: {  	_ =	sdelay $0x2  }
0x123: {  	[tilespmem:s14+$0x17080] =	vst v3  }
.Ltmp9:
0x124: {  	(pc) =	sbr.rel .LBB2_15-.Ltmp9, $2  }
0x125: {  	_ =	sdelay $0x2  }
0x126: {  	s14 =	sxor.u32 $0x80000000, s2;
	s15 =	sxor.u32 $0x80000000, s4;
	s16 =	simm.s32 $0x0  }
.LBB2_24:
0x127: {  	s16 =	sadd.s32 $0x1, s16  }
0x128: {  	p1 =	sne.s32 s16, s13  }
.Ltmp10:
0x129: {  	_ = 	snop;
	(pc) =	sbr.rel @!p1 .LBB2_25-.Ltmp10, $1  }
0x12a: {  	_ =	sdelay $0x3  }
.LBB2_15:
0x12b: {  	s2 =	sshll.u32 s16, $0xB  }
0x12c: {  	s4 =	sadd.s32 s14, s2  }
0x12d: {  	s4 =	sand.u32 $0xFFFFFF80, s4  }
0x12e: {  	s18 =	simm.s32 $0x19800;
	s9 =	sadd.s32 s4, s5  }
0x12f: {  	[tilespmem:s18], [sflag:$0x2] =	stream.linear.gather [spmem:s9], $0x800, $0x38;
	[tilespmem:$0x1C000] =	vst v63  }
0x130: {  	_ =	swait.ge [sflag:s19], $0x800  }
0x131: {  	[sflag:s19] =	ssyncset.done $0x0  }
0x132: {  	s23 =	simm.s32 $0x1A000;
	s17 =	sadd.s32 s4, s6;
	[sflag:s19] =	ssyncadd.s32 $0xFFFFF800  }
0x133: {  	[tilespmem:s23], [sflag:$0x2] =	stream.linear.gather [spmem:s17], $0x800, $0x38;
	[tilespmem:$0x1C000] =	vst v63  }
0x134: {  	_ =	swait.ge [sflag:s19], $0x800  }
0x135: {  	[sflag:s19] =	ssyncset.done $0x0  }
0x136: {  	s24 =	simm.s32 $0x1A800;
	s4 =	sadd.s32 s4, s7;
	[sflag:s19] =	ssyncadd.s32 $0xFFFFF800  }
0x137: {  	[tilespmem:s24], [sflag:$0x2] =	stream.linear.gather [spmem:s4], $0x800, $0x38;
	[tilespmem:$0x1C000] =	vst v63  }
0x138: {  	s21 =	ssub.s32 s15, s2;
	s2 =	simm.s32 $0x1B800;
	_ =	swait.ge [sflag:s19], $0x800  }
0x139: {  	v5 =	vmov s21;
	s21 =	simm.s32 $0x0;
	s9 =	simm.s32 $0x1B800;
	[sflag:s19] =	ssyncset.done $0x0  }
0x13a: {  	s17 =	simm.s32 $0x1B000;
	s4 =	simm.s32 $0x1B000;
	[sflag:s19] =	ssyncadd.s32 $0xFFFFF800  }
.LBB2_16:
0x13b: {  	v6 =	vld [tilespmem:s18+$0x0];
	_ =	sdelay $0x2  }
0x13c: {  	v7 =	vor.u32 s21, v4  }
0x13d: {  	vm0 =	vlt.s32 v7, v5  }
0x13e: {  	v6 =	vnsel vm0, $0x0, v6;
	_ =	sdelay $0x2  }
0x13f: {  	v8 =	vld [tilespmem:s24+$0x0]  }
0x140: {  	v7 =	vld [tilespmem:s23+$0x0]  }
0x141: {  	v6 =	vld.idx.msk [tilespmem:v6+s31+$0x0], $0xffff;
	_ =	sdelay $0x3  }
0x142: {  	v7 =	vnsel vm0, $0x0, v7  }
0x143: {  	v6 =	vmul.f32 v8, v6;
	_ =	sdelay $0x1  }
0x144: {  	[tilespmem:s4+$0x0] =	vst v6  }
0x145: {  	[tilespmem:s9+$0x0] =	vst v7  }
0x146: {  	v63 =	vld.idx.msk [tilespmem:v7+s11+$0x0], $0xffff;
	_ =	sdelay $0x4  }
0x147: {  	v6 =	vmax.f32 v63, v6  }
0x148: {  	vm1 =	vgt.f32 v6, v63  }
0x149: {  	vm0 =	vmand vm0, vm1  }
0x14a: {  	p1 =	sne.s32 s21, $0x7F0  }
.Ltmp11:
0x14b: {  	_ = 	snop;
	(pc) =	sbr.rel @p1 .LBB2_16-.Ltmp11, $3  }
0x14c: {  	_ =	sdelay $0x1  }
0x14d: {  	s18 =	sadd.s32 $0x10, s18;
	s24 =	sadd.s32 $0x10, s24;
	s21 =	sadd.s32 $0x10, s21  }
0x14e: {  	s23 =	sadd.s32 $0x10, s23;
	s4 =	sadd.s32 $0x10, s4;
	s9 =	sadd.s32 $0x10, s9;
	[tilespmem:v7+s11+$0x0] =	vst.idx.msk vm0, v6  }
0x14f: {  	v6 =	vld [tilespmem:s2+$0x0];
	_ =	sdelay $0x5  }
0x150: {  	v7 =	vld [tilespmem:s17+$0x0];
	s24 =	simm.s32 $0x1B810  }
0x151: {  	v9 =	vld [tilespmem:s24+$0x0]  }
0x152: {  	s23 =	simm.s32 $0x0;
	s18 =	simm.s32 $0x10;
	s2 =	simm.s32 $0x20;
	v8 =	vld.idx.msk [tilespmem:v6+s11+$0x0], $0xffff;
	v6 =	vimm.s32 $0x0  }
.LBB2_18:
0x153: {  	p1 =	sne.s32 s2, $0x7F0;
	_ =	sdelay $0x2  }
0x154: {  	v10 =	vor.u32 s23, v4;
	s23 =	smov.u32 s18;
	s18 =	smov.u32 s2  }
.Ltmp12:
0x155: {  	vm0 =	vlt.s32 v10, v5;
	vm1 =	vlt.f32 v8, v7;
	(pc) =	sbr.rel @p1 .LBB2_18-.Ltmp12, $4  }
0x156: {  	s17 =	sadd.s32 $0x10, s17;
	vm0 =	vmand vm0, vm1  }
0x157: {  	v10 =	vsel vm0, $0x1, v2;
	v7 =	vld [tilespmem:s17+$0x0]  }
0x158: {  	s24 =	sadd.s32 $0x10, s24;
	v6 =	vor.u32 v10, v6;
	v8 =	vld.idx.msk [tilespmem:v9+s11+$0x0], $0xffff  }
0x159: {  	s2 =	sadd.s32 $0x10, s2;
	v9 =	vld [tilespmem:s24+$0x0]  }
0x15a: {  	_ =	sdelay $0x5  }
0x15b: {  	s2 =	sadd.s32 $0x10, s17  }
0x15c: {  	v10 =	vld [tilespmem:s2+$0x0]  }
0x15d: {  	v9 =	vld.idx.msk [tilespmem:v9+s11+$0x0], $0xffff;
	_ =	sdelay $0x2  }
0x15e: {  	v11 =	vor.u32 s23, v4  }
0x15f: {  	vm0 =	vlt.s32 v11, v5;
	vm1 =	vlt.f32 v8, v7;
	v7 =	vor.u32 s18, v4  }
0x160: {  	vm0 =	vmand vm0, vm1;
	vm14 =	vlt.s32 v7, v5;
	vm2 =	vlt.f32 v9, v10  }
0x161: {  	v7 =	vsel vm0, $0x1, v2;
	vm15 =	vmand vm14, vm2  }
0x162: {  	v6 =	vor.u32 v7, v6;
	v7 =	vsel vm15, $0x1, v2  }
0x163: {  	v6 =	vor.u32 v7, v6  }
0x164: {  	v6 =	vxor.u32 $0x80000000, v6  }
0x165: {  	(xrf0) =	vmax.scan.msk.u32 $0xffff, v6;
	_ =	sdelay $0x5  }
0x166: {  	v6, _, _ =	vpop (xrf0)  }
0x167: {  	(v2sf) =	vpush v6, $0xF;
	_ =	sdelay $0xe  }
0x168: {  	s24 =	spop (v2sf)  }
0x169: {  	p1 =	slt.u32 s24, $0x80000001  }
.Ltmp13:
0x16a: {  	_ = 	snop;
	(pc) =	sbr.rel @p1 .LBB2_24-.Ltmp13, $2  }
0x16b: {  	_ =	sdelay $0x2  }
0x16c: {  	s2 =	simm.s32 $0x0  }
.LBB2_20:
0x16d: {  	s4 =	sshll.u32 s2, $0x4  }
0x16e: {  	v6 =	vld [tilespmem:s4+$0x19800];
	_ =	sdelay $0x2  }
0x16f: {  	v7 =	vor.u32 s4, v4  }
0x170: {  	vm0 =	vlt.s32 v7, v5  }
0x171: {  	v6 =	vnsel vm0, $0x0, v6;
	_ =	sdelay $0x2  }
0x172: {  	v7 =	vld [tilespmem:s4+$0x1A000]  }
0x173: {  	v8 =	vld [tilespmem:s4+$0x1A800]  }
0x174: {  	v6 =	vld.idx.msk [tilespmem:v6+s31+$0x0], $0xffff;
	_ =	sdelay $0x2  }
0x175: {  	v7 =	vnsel vm0, $0x0, v7;
	_ =	sdelay $0x1  }
0x176: {  	v6 =	vmul.f32 v8, v6  }
0x177: {  	[tilespmem:s4+$0x1B800] =	vst v7  }
0x178: {  	[tilespmem:s4+$0x1B000] =	vst v6  }
0x179: {  	v8 =	vld.idx.msk [tilespmem:v7+s11+$0x0], $0xffff;
	_ =	sdelay $0x4  }
0x17a: {  	v9 =	vmax.f32 v8, v6  }
0x17b: {  	vm1 =	vgt.f32 v9, v8  }
0x17c: {  	s2 =	sadd.s32 $0x1, s2;
	vm0 =	vmand vm0, vm1  }
0x17d: {  	p1 =	sne.s32 s2, $0x80  }
.Ltmp14:
0x17e: {  	_ = 	snop;
	(pc) =	sbr.rel @p1 .LBB2_20-.Ltmp14, $2  }
0x17f: {  	_ =	sdelay $0x2  }
0x180: {  	s17 =	simm.s32 $0x1B000;
	s4 =	simm.s32 $0x1B800;
	v6 =	vimm.s32 $0x0;
	[tilespmem:v7+s11+$0x0] =	vst.idx.msk vm0, v9  }
0x181: {  	v8 =	vld [tilespmem:s4+$0x0];
	_ =	sdelay $0x5  }
0x182: {  	v7 =	vld [tilespmem:s17+$0x0];
	s23 =	simm.s32 $0x1B810  }
0x183: {  	v9 =	vld [tilespmem:s23+$0x0]  }
0x184: {  	s18 =	simm.s32 $0x10;
	s2 =	simm.s32 $0x20;
	s24 =	simm.s32 $0x0;
	v8 =	vld.idx.msk [tilespmem:v8+s11+$0x0], $0xffff  }
.LBB2_22:
0x185: {  	p1 =	sne.s32 s2, $0x7F0;
	_ =	sdelay $0x2  }
0x186: {  	v10 =	vor.u32 s24, v4;
	s24 =	smov.u32 s18;
	s18 =	smov.u32 s2  }
.Ltmp15:
0x187: {  	vm0 =	vlt.s32 v10, v5;
	vm1 =	vlt.f32 v8, v7;
	(pc) =	sbr.rel @p1 .LBB2_22-.Ltmp15, $4  }
0x188: {  	s17 =	sadd.s32 $0x10, s17;
	vm0 =	vmand vm0, vm1  }
0x189: {  	v10 =	vsel vm0, $0x1, v2;
	v7 =	vld [tilespmem:s17+$0x0]  }
0x18a: {  	s23 =	sadd.s32 $0x10, s23;
	v6 =	vor.u32 v10, v6;
	v8 =	vld.idx.msk [tilespmem:v9+s11+$0x0], $0xffff  }
0x18b: {  	s2 =	sadd.s32 $0x10, s2;
	v9 =	vld [tilespmem:s23+$0x0]  }
0x18c: {  	_ =	sdelay $0x5  }
0x18d: {  	s2 =	sadd.s32 $0x10, s17  }
0x18e: {  	v10 =	vld [tilespmem:s2+$0x0]  }
0x18f: {  	v9 =	vld.idx.msk [tilespmem:v9+s11+$0x0], $0xffff;
	_ =	sdelay $0x2  }
0x190: {  	v11 =	vor.u32 s24, v4  }
0x191: {  	vm0 =	vlt.s32 v11, v5;
	vm1 =	vlt.f32 v8, v7;
	v7 =	vor.u32 s18, v4  }
0x192: {  	vm0 =	vmand vm0, vm1;
	vm14 =	vlt.s32 v7, v5;
	vm2 =	vlt.f32 v9, v10  }
0x193: {  	v7 =	vsel vm0, $0x1, v2;
	vm15 =	vmand vm14, vm2  }
0x194: {  	v6 =	vor.u32 v7, v6;
	v7 =	vsel vm15, $0x1, v2  }
0x195: {  	v6 =	vor.u32 v7, v6  }
0x196: {  	v6 =	vxor.u32 $0x80000000, v6  }
0x197: {  	(xrf0) =	vmax.scan.msk.u32 $0xffff, v6;
	_ =	sdelay $0x5  }
0x198: {  	v6, _, _ =	vpop (xrf0)  }
0x199: {  	(v2sf) =	vpush v6, $0xF;
	_ =	sdelay $0xe  }
0x19a: {  	s24 =	spop (v2sf)  }
0x19b: {  	p1 =	sgt.u32 s24, $0x80000000  }
.Ltmp16:
0x19c: {  	_ = 	snop;
	(pc) =	sbr.rel @p1 .LBB2_20-.Ltmp16, $4  }
.Ltmp17:
0x19d: {  	_ = 	snop;
	(pc) =	sbr.rel @!p1 .LBB2_24-.Ltmp17, $4  }
0x19e: {  	_ = 	snop  }
0x19f: {  	_ = 	snop  }
0x1a0: {  	s2 =	simm.s32 $0x0  }
0x1a1: {  	_ = 	snop  }
.LBB2_25:
0x1a2: {  	s2 =	rddreg [dreg:$0xe];
	s4 =	simm.s32 $0x80;
	s9 =	simm.s32 $0x400  }
0x1a3: {  	[hbm4b:s2+s4] =	stream.strided.scatter [tilespmem:s11], [sflag:$0x2], $0x2780, s9, s4, $0x38;
	[tilespmem:$0x1C000] =	vst v63  }
0x1a4: {  	_ =	swait.ge [sflag:s19], $0x2780  }
0x1a5: {  	[sflag:s19] =	ssyncset.done $0x0  }
0x1a6: {  	s18 =	rddreg [dreg:$0x13];
	[sflag:s19] =	ssyncadd.s32 $0xFFFFD880  }
0x1a7: {  	v5 =	vld [tilespmem:s18+$0x12900];
	_ =	sdelay $0x6  }
0x1a8: {  	s21 =	simm.s32 $0x3100  }
0x1a9: {  	s23 =	simm.s32 $0x3180;
	s24 =	rddreg [dreg:$0xf];
	v6 =	vld.idx.msk [tilespmem:v5+s21+$0x0], $0xffff  }
0x1aa: {  	v5 =	vld.idx.msk [tilespmem:v5+s23+$0x0], $0xffff;
	[tilespmem:s31], [sflag:$0x2] =	stream.strided.gather [hbm4b:s24+s4], $0x2780, s9, s4, $0x38  }
0x1ab: {  	_ =	swait.ge [sflag:s19], $0x2780  }
0x1ac: {  	[sflag:s19] =	ssyncset.done $0x0  }
0x1ad: {  	s14 =	simm.s32 $0x0;
	s2 =	simm.s32 $0x40;
	[sflag:s19] =	ssyncadd.s32 $0xFFFFD880  }
.LBB2_26:
0x1ae: {  	p1 =	sne.s32 s2, $0x9C00;
	[tilespmem:s14+$0x17080] =	vst v3;
	s4 =	smov.u32 s2;
	s2 =	sadd.s32 $0x40, s2  }
.Ltmp18:
0x1af: {  	(pc) =	sbr.rel @p1 .LBB2_26-.Ltmp18, $2  }
0x1b0: {  	_ =	sdelay $0x2  }
0x1b1: {  	s14 =	sshra.s32 s4, $0x2  }
0x1b2: {  	v6 =	vxor.u32 $0x80000000, v6  }
0x1b3: {  	v5 =	vxor.u32 $0x80000000, v5;
	(xrf0) =	vmin.scan.msk.u32 $0xffff, v6  }
0x1b4: {  	(xrf0) =	vmin.scan.msk.u32 $0xffff, v5;
	_ =	sdelay $0x4  }
0x1b5: {  	v5, _, _ =	vpop (xrf0)  }
0x1b6: {  	(v2sf) =	vpush v5, $0xF;
	v5, _, _ =	vpop (xrf0)  }
0x1b7: {  	(v2sf) =	vpush v5, $0xF;
	_ =	sdelay $0xd  }
0x1b8: {  	s2 =	spop (v2sf)  }
0x1b9: {  	s4 =	spop (v2sf)  }
0x1ba: {  	s9 =	sadd.s32 $0x800007FF, s4  }
0x1bb: {  	s13 =	sand.u32 $0x7FF, s9  }
0x1bc: {  	s24 =	sshra.s32 s9, $0x1F;
	p2 =	slt.s32 s9, $0x1;
	p1 =	sne.s32 s13, $0x0  }
0x1bd: {  	s13 =	sshrl.u32 s24, $0x15;
	p1 =	por !p2, !p1  }
0x1be: {  	s9 =	sadd.s32 s13, s9;
	s13 =	simm.s32 $0x1;
	p1 =	por !p1, !p1  }
0x1bf: {  	s9 =	sshra.s32 s9, $0xB;
	s13 =	simm.s32 @!p1 $0x0  }
0x1c0: {  	s13 =	ssub.s32 s9, s13  }
0x1c1: {  	p1 =	slt.s32 s13, $0x1  }
.Ltmp19:
0x1c2: {  	_ = 	snop;
	(pc) =	sbr.rel @p1 .LBB2_39-.Ltmp19, $2  }
0x1c3: {  	_ =	sdelay $0x2  }
0x1c4: {  	[tilespmem:s14+$0x17080] =	vst v3  }
.Ltmp20:
0x1c5: {  	(pc) =	sbr.rel .LBB2_29-.Ltmp20, $2  }
0x1c6: {  	_ =	sdelay $0x2  }
0x1c7: {  	s14 =	sxor.u32 $0x80000000, s2;
	s15 =	sxor.u32 $0x80000000, s4;
	s16 =	simm.s32 $0x0  }
.LBB2_38:
0x1c8: {  	s16 =	sadd.s32 $0x1, s16  }
0x1c9: {  	p1 =	sne.s32 s16, s13  }
.Ltmp21:
0x1ca: {  	_ = 	snop;
	(pc) =	sbr.rel @!p1 .LBB2_39-.Ltmp21, $1  }
0x1cb: {  	_ =	sdelay $0x3  }
.LBB2_29:
0x1cc: {  	s2 =	sshll.u32 s16, $0xB  }
0x1cd: {  	s4 =	sadd.s32 s14, s2  }
0x1ce: {  	s4 =	sand.u32 $0xFFFFFF80, s4  }
0x1cf: {  	s18 =	simm.s32 $0x19800;
	s9 =	sadd.s32 s4, s5  }
0x1d0: {  	[tilespmem:s18], [sflag:$0x2] =	stream.linear.gather [spmem:s9], $0x800, $0x38;
	[tilespmem:$0x1C000] =	vst v63  }
0x1d1: {  	_ =	swait.ge [sflag:s19], $0x800  }
0x1d2: {  	[sflag:s19] =	ssyncset.done $0x0  }
0x1d3: {  	s23 =	simm.s32 $0x1A000;
	s17 =	sadd.s32 s4, s6;
	[sflag:s19] =	ssyncadd.s32 $0xFFFFF800  }
0x1d4: {  	[tilespmem:s23], [sflag:$0x2] =	stream.linear.gather [spmem:s17], $0x800, $0x38;
	[tilespmem:$0x1C000] =	vst v63  }
0x1d5: {  	_ =	swait.ge [sflag:s19], $0x800  }
0x1d6: {  	[sflag:s19] =	ssyncset.done $0x0  }
0x1d7: {  	s24 =	simm.s32 $0x1A800;
	s4 =	sadd.s32 s4, s7;
	[sflag:s19] =	ssyncadd.s32 $0xFFFFF800  }
0x1d8: {  	[tilespmem:s24], [sflag:$0x2] =	stream.linear.gather [spmem:s4], $0x800, $0x38;
	[tilespmem:$0x1C000] =	vst v63  }
0x1d9: {  	s21 =	ssub.s32 s15, s2;
	s2 =	simm.s32 $0x1B800;
	_ =	swait.ge [sflag:s19], $0x800  }
0x1da: {  	v5 =	vmov s21;
	s21 =	simm.s32 $0x0;
	s9 =	simm.s32 $0x1B800;
	[sflag:s19] =	ssyncset.done $0x0  }
0x1db: {  	s17 =	simm.s32 $0x1B000;
	s4 =	simm.s32 $0x1B000;
	[sflag:s19] =	ssyncadd.s32 $0xFFFFF800  }
.LBB2_30:
0x1dc: {  	v6 =	vld [tilespmem:s18+$0x0];
	_ =	sdelay $0x2  }
0x1dd: {  	v7 =	vor.u32 s21, v4  }
0x1de: {  	vm0 =	vlt.s32 v7, v5  }
0x1df: {  	v6 =	vnsel vm0, $0x0, v6;
	_ =	sdelay $0x2  }
0x1e0: {  	v8 =	vld [tilespmem:s24+$0x0]  }
0x1e1: {  	v7 =	vld [tilespmem:s23+$0x0]  }
0x1e2: {  	v6 =	vld.idx.msk [tilespmem:v6+s31+$0x0], $0xffff;
	_ =	sdelay $0x3  }
0x1e3: {  	v7 =	vnsel vm0, $0x0, v7  }
0x1e4: {  	v6 =	vmul.f32 v8, v6;
	_ =	sdelay $0x1  }
0x1e5: {  	[tilespmem:s4+$0x0] =	vst v6  }
0x1e6: {  	[tilespmem:s9+$0x0] =	vst v7  }
0x1e7: {  	v63 =	vld.idx.msk [tilespmem:v7+s11+$0x0], $0xffff;
	_ =	sdelay $0x4  }
0x1e8: {  	v6 =	vmax.f32 v63, v6  }
0x1e9: {  	vm1 =	vgt.f32 v6, v63  }
0x1ea: {  	vm0 =	vmand vm0, vm1  }
0x1eb: {  	p1 =	sne.s32 s21, $0x7F0  }
.Ltmp22:
0x1ec: {  	_ = 	snop;
	(pc) =	sbr.rel @p1 .LBB2_30-.Ltmp22, $3  }
0x1ed: {  	_ =	sdelay $0x1  }
0x1ee: {  	s18 =	sadd.s32 $0x10, s18;
	s24 =	sadd.s32 $0x10, s24;
	s21 =	sadd.s32 $0x10, s21  }
0x1ef: {  	s23 =	sadd.s32 $0x10, s23;
	s4 =	sadd.s32 $0x10, s4;
	s9 =	sadd.s32 $0x10, s9;
	[tilespmem:v7+s11+$0x0] =	vst.idx.msk vm0, v6  }
0x1f0: {  	v6 =	vld [tilespmem:s2+$0x0];
	_ =	sdelay $0x5  }
0x1f1: {  	v7 =	vld [tilespmem:s17+$0x0];
	s24 =	simm.s32 $0x1B810  }
0x1f2: {  	v9 =	vld [tilespmem:s24+$0x0]  }
0x1f3: {  	s23 =	simm.s32 $0x0;
	s18 =	simm.s32 $0x10;
	s2 =	simm.s32 $0x20;
	v8 =	vld.idx.msk [tilespmem:v6+s11+$0x0], $0xffff;
	v6 =	vimm.s32 $0x0  }
.LBB2_32:
0x1f4: {  	p1 =	sne.s32 s2, $0x7F0;
	_ =	sdelay $0x2  }
0x1f5: {  	v10 =	vor.u32 s23, v4;
	s23 =	smov.u32 s18;
	s18 =	smov.u32 s2  }
.Ltmp23:
0x1f6: {  	vm0 =	vlt.s32 v10, v5;
	vm1 =	vlt.f32 v8, v7;
	(pc) =	sbr.rel @p1 .LBB2_32-.Ltmp23, $4  }
0x1f7: {  	s17 =	sadd.s32 $0x10, s17;
	vm0 =	vmand vm0, vm1  }
0x1f8: {  	v10 =	vsel vm0, $0x1, v2;
	v7 =	vld [tilespmem:s17+$0x0]  }
0x1f9: {  	s24 =	sadd.s32 $0x10, s24;
	v6 =	vor.u32 v10, v6;
	v8 =	vld.idx.msk [tilespmem:v9+s11+$0x0], $0xffff  }
0x1fa: {  	s2 =	sadd.s32 $0x10, s2;
	v9 =	vld [tilespmem:s24+$0x0]  }
0x1fb: {  	_ =	sdelay $0x5  }
0x1fc: {  	s2 =	sadd.s32 $0x10, s17  }
0x1fd: {  	v10 =	vld [tilespmem:s2+$0x0]  }
0x1fe: {  	v9 =	vld.idx.msk [tilespmem:v9+s11+$0x0], $0xffff;
	_ =	sdelay $0x2  }
0x1ff: {  	v11 =	vor.u32 s23, v4  }
0x200: {  	vm0 =	vlt.s32 v11, v5;
	vm1 =	vlt.f32 v8, v7;
	v7 =	vor.u32 s18, v4  }
0x201: {  	vm0 =	vmand vm0, vm1;
	vm14 =	vlt.s32 v7, v5;
	vm2 =	vlt.f32 v9, v10  }
0x202: {  	v7 =	vsel vm0, $0x1, v2;
	vm15 =	vmand vm14, vm2  }
0x203: {  	v6 =	vor.u32 v7, v6;
	v7 =	vsel vm15, $0x1, v2  }
0x204: {  	v6 =	vor.u32 v7, v6  }
0x205: {  	v6 =	vxor.u32 $0x80000000, v6  }
0x206: {  	(xrf0) =	vmax.scan.msk.u32 $0xffff, v6;
	_ =	sdelay $0x5  }
0x207: {  	v6, _, _ =	vpop (xrf0)  }
0x208: {  	(v2sf) =	vpush v6, $0xF;
	_ =	sdelay $0xe  }
0x209: {  	s24 =	spop (v2sf)  }
0x20a: {  	p1 =	slt.u32 s24, $0x80000001  }
.Ltmp24:
0x20b: {  	_ = 	snop;
	(pc) =	sbr.rel @p1 .LBB2_38-.Ltmp24, $2  }
0x20c: {  	_ =	sdelay $0x2  }
0x20d: {  	s2 =	simm.s32 $0x0  }
.LBB2_34:
0x20e: {  	s4 =	sshll.u32 s2, $0x4  }
0x20f: {  	v6 =	vld [tilespmem:s4+$0x19800];
	_ =	sdelay $0x2  }
0x210: {  	v7 =	vor.u32 s4, v4  }
0x211: {  	vm0 =	vlt.s32 v7, v5  }
0x212: {  	v6 =	vnsel vm0, $0x0, v6;
	_ =	sdelay $0x2  }
0x213: {  	v7 =	vld [tilespmem:s4+$0x1A000]  }
0x214: {  	v8 =	vld [tilespmem:s4+$0x1A800]  }
0x215: {  	v6 =	vld.idx.msk [tilespmem:v6+s31+$0x0], $0xffff;
	_ =	sdelay $0x2  }
0x216: {  	v7 =	vnsel vm0, $0x0, v7;
	_ =	sdelay $0x1  }
0x217: {  	v6 =	vmul.f32 v8, v6  }
0x218: {  	[tilespmem:s4+$0x1B800] =	vst v7  }
0x219: {  	[tilespmem:s4+$0x1B000] =	vst v6  }
0x21a: {  	v8 =	vld.idx.msk [tilespmem:v7+s11+$0x0], $0xffff;
	_ =	sdelay $0x4  }
0x21b: {  	v9 =	vmax.f32 v8, v6  }
0x21c: {  	vm1 =	vgt.f32 v9, v8  }
0x21d: {  	s2 =	sadd.s32 $0x1, s2;
	vm0 =	vmand vm0, vm1  }
0x21e: {  	p1 =	sne.s32 s2, $0x80  }
.Ltmp25:
0x21f: {  	_ = 	snop;
	(pc) =	sbr.rel @p1 .LBB2_34-.Ltmp25, $2  }
0x220: {  	_ =	sdelay $0x2  }
0x221: {  	s17 =	simm.s32 $0x1B000;
	s4 =	simm.s32 $0x1B800;
	v6 =	vimm.s32 $0x0;
	[tilespmem:v7+s11+$0x0] =	vst.idx.msk vm0, v9  }
0x222: {  	v8 =	vld [tilespmem:s4+$0x0];
	_ =	sdelay $0x5  }
0x223: {  	v7 =	vld [tilespmem:s17+$0x0];
	s23 =	simm.s32 $0x1B810  }
0x224: {  	v9 =	vld [tilespmem:s23+$0x0]  }
0x225: {  	s18 =	simm.s32 $0x10;
	s2 =	simm.s32 $0x20;
	s24 =	simm.s32 $0x0;
	v8 =	vld.idx.msk [tilespmem:v8+s11+$0x0], $0xffff  }
.LBB2_36:
0x226: {  	p1 =	sne.s32 s2, $0x7F0;
	_ =	sdelay $0x2  }
0x227: {  	v10 =	vor.u32 s24, v4;
	s24 =	smov.u32 s18;
	s18 =	smov.u32 s2  }
.Ltmp26:
0x228: {  	vm0 =	vlt.s32 v10, v5;
	vm1 =	vlt.f32 v8, v7;
	(pc) =	sbr.rel @p1 .LBB2_36-.Ltmp26, $4  }
0x229: {  	s17 =	sadd.s32 $0x10, s17;
	vm0 =	vmand vm0, vm1  }
0x22a: {  	v10 =	vsel vm0, $0x1, v2;
	v7 =	vld [tilespmem:s17+$0x0]  }
0x22b: {  	s23 =	sadd.s32 $0x10, s23;
	v6 =	vor.u32 v10, v6;
	v8 =	vld.idx.msk [tilespmem:v9+s11+$0x0], $0xffff  }
0x22c: {  	s2 =	sadd.s32 $0x10, s2;
	v9 =	vld [tilespmem:s23+$0x0]  }
0x22d: {  	_ =	sdelay $0x5  }
0x22e: {  	s2 =	sadd.s32 $0x10, s17  }
0x22f: {  	v10 =	vld [tilespmem:s2+$0x0]  }
0x230: {  	v9 =	vld.idx.msk [tilespmem:v9+s11+$0x0], $0xffff;
	_ =	sdelay $0x2  }
0x231: {  	v11 =	vor.u32 s24, v4  }
0x232: {  	vm0 =	vlt.s32 v11, v5;
	vm1 =	vlt.f32 v8, v7;
	v7 =	vor.u32 s18, v4  }
0x233: {  	vm0 =	vmand vm0, vm1;
	vm14 =	vlt.s32 v7, v5;
	vm2 =	vlt.f32 v9, v10  }
0x234: {  	v7 =	vsel vm0, $0x1, v2;
	vm15 =	vmand vm14, vm2  }
0x235: {  	v6 =	vor.u32 v7, v6;
	v7 =	vsel vm15, $0x1, v2  }
0x236: {  	v6 =	vor.u32 v7, v6  }
0x237: {  	v6 =	vxor.u32 $0x80000000, v6  }
0x238: {  	(xrf0) =	vmax.scan.msk.u32 $0xffff, v6;
	_ =	sdelay $0x5  }
0x239: {  	v6, _, _ =	vpop (xrf0)  }
0x23a: {  	(v2sf) =	vpush v6, $0xF;
	_ =	sdelay $0xe  }
0x23b: {  	s24 =	spop (v2sf)  }
0x23c: {  	p1 =	sgt.u32 s24, $0x80000000  }
.Ltmp27:
0x23d: {  	_ = 	snop;
	(pc) =	sbr.rel @p1 .LBB2_34-.Ltmp27, $4  }
.Ltmp28:
0x23e: {  	_ = 	snop;
	(pc) =	sbr.rel @!p1 .LBB2_38-.Ltmp28, $4  }
0x23f: {  	_ = 	snop  }
0x240: {  	_ = 	snop  }
0x241: {  	s2 =	simm.s32 $0x0  }
0x242: {  	_ = 	snop  }
.LBB2_40:
0x243: {  	_ =	sfence.sel $0x180000  }
0x244: {  	[bflag:$0x0] =	sbarrier.arrive $0xFFFF  }
0x245: {  	_ =	strace $0x90000047  }
0x246: {  	s0 =	stileid.u32;
	[bflag:$0x2] =	sbarrier.arrive $0xFFFF  }
0x247: {  	p0 =	sne.s32 s0, $0x0;
	s0 =	rddreg [dreg:$0xa]  }
0x248: {  	s0 =	sadd.s32 @!p0 $0x100000, s0  }
0x249: {  	[sflag:s0] =	ssyncadd.tile.s32 @!p0 $0x1;
	_ =	shalt  }
.Lfunc_end2:
_tile_overlayer_lowered:
.L_overlay_start_2:
0x24a: {  	(tag) =	ssettag $0x2  }
0x24b: {  	s0 =	rddreg [dreg:$0x0];
	s2 =	stileid.u32  }
0x24c: {  	s1 =	rddreg [dreg:$0x1];
	p0 =	sne.s32 s2, $0x0  }
0x24d: {  	s3 =	rddreg [dreg:$0x2];
	[bflag:$0x3] =	sbarrier.arrive $0xFFFF;
	s2 =	simm.s32 @!p0 $0x1C02  }
0x24e: {  	[timem:s3], [sflag:s2] =	dma.local @!p0 [hbm:s0], s1  }
0x24f: {  	s0 =	simm.s32 @!p0 $0x2  }
0x250: {  	_ =	swait.ge @!p0 [sflag:s0], s1  }
0x251: {  	s1 =	ssub.s32 @!p0 $0x0, s1;
	[sflag:s0] =	ssyncset.done @!p0 $0x0  }
0x252: {  	[sflag:s0] =	ssyncadd.s32 @!p0 s1  }
0x253: {  	[bflag:$0x3] =	sbarrier.arrive $0xFFFF  }
0x254: {  	_ =	shalt  }

</sc_bundles>
